<compile_context>
chip_gen: v7x
topology: tpu7x:2x2x1
jax: 0.10.2.dev20260603
libtpu: 0.0.44.dev20260713+nightly
codegen_flags: <defaults>
</compile_context>

<pallas_src>
import dataclasses
import functools

import jax
import jax.numpy as jnp
from jax import lax
from jax.experimental import pallas as pl
from jax.experimental.pallas import tpu as pltpu
from jax.experimental.pallas import tpu_sc as plsc

N = 10000
E = 320000
D = 128
NG = 64

NC = 2
NS = 16
NW = NC * NS

CH = 128
K = 80
EP = NW * CH * K
PAD = EP - E
NP = N + 240
RPT = NP // NS

_mesh = plsc.VectorSubcoreMesh(core_axis_name="c", subcore_axis_name="s")

_sc_params = pltpu.CompilerParams()
if "needs_layout_passes" in pltpu.CompilerParams.__dataclass_fields__:
    _sc_params = dataclasses.replace(_sc_params, needs_layout_passes=False)


@functools.partial(
    pl.kernel,
    out_type=jax.ShapeDtypeStruct((NW * NP,), jnp.float32),
    mesh=_mesh,
    compiler_params=_sc_params,
    scratch_types=[
        pltpu.VMEM((K, CH), jnp.int32),
        pltpu.VMEM((NP,), jnp.float32),
    ],
)
def _deg_kernel(dst_hbm, out_hbm, idx_v, hist_v):
    cid = lax.axis_index("c")
    sid = lax.axis_index("s")
    wid = sid * NC + cid
    pltpu.sync_copy(dst_hbm.at[pl.ds(wid * K, K)], idx_v)

    @pl.loop(0, NP // 16)
    def _(i):
        hist_v.at[pl.ds(i * 16, 16)][...] = jnp.zeros((16,), jnp.float32)

    ones = jnp.ones((16,), jnp.float32)

    @pl.loop(0, K)
    def _(r):
        @pl.loop(0, CH // 16)
        def _(c):
            idx = idx_v.at[r, pl.ds(c * 16, 16)][...]
            plsc.addupdate_scatter(hist_v, [idx], ones)

    pltpu.sync_copy(hist_v, out_hbm.at[pl.ds(wid * NP, NP)])


NB = 2


@functools.partial(
    pl.kernel,
    out_type=jax.ShapeDtypeStruct((NC, NP, D), jnp.float32),
    mesh=_mesh,
    scratch_types=(
        [pltpu.VMEM((CH,), jnp.int32) for _ in range(2 * NB)]
        + [pltpu.VMEM((CH, D), jnp.float32) for _ in range(NB)]
        + [pltpu.VMEM_SHARED((NP, D), jnp.float32)]
        + [pltpu.SemaphoreType.DMA for _ in range(4 * NB)]
    ),
)
def _msg_kernel(src_hbm, dst_hbm, y0_hbm, zeros_hbm, out_hbm, *scr):
    sfv = scr[0:NB]
    dfv = scr[NB:2 * NB]
    rows = scr[2 * NB:3 * NB]
    acc_sh = scr[3 * NB]
    isem = scr[1 + 3 * NB:1 + 4 * NB]
    jsem = scr[1 + 4 * NB:1 + 5 * NB]
    gsem = scr[1 + 5 * NB:1 + 6 * NB]
    ssem = scr[1 + 6 * NB:1 + 7 * NB]
    cid = lax.axis_index("c")
    sid = lax.axis_index("s")
    wid = sid * NC + cid

    def fire_idx(b, j):
        pltpu.async_copy(src_hbm.at[wid * K + j], sfv[b], isem[b])
        pltpu.async_copy(dst_hbm.at[wid * K + j], dfv[b], jsem[b])

    def wait_idx(b):
        pltpu.make_async_copy(src_hbm.at[0], sfv[b], isem[b]).wait()
        pltpu.make_async_copy(dst_hbm.at[0], dfv[b], jsem[b]).wait()

    def fire_gather(b):
        pltpu.async_copy(y0_hbm.at[sfv[b]], rows[b], gsem[b])

    def wait_gather(b):
        pltpu.make_async_copy(y0_hbm.at[sfv[b]], rows[b], gsem[b]).wait()

    def fire_scatter(b):
        pltpu.async_copy(rows[b], acc_sh.at[dfv[b]], ssem[b], add=True)

    def wait_scatter(b):
        pltpu.make_async_copy(rows[b], acc_sh.at[dfv[b]], ssem[b]).wait()

    for b in range(NB):
        fire_idx(b, b)
    pltpu.sync_copy(zeros_hbm.at[pl.ds(sid * RPT, RPT)],
                    acc_sh.at[pl.ds(sid * RPT, RPT)])
    plsc.subcore_barrier()

    @pl.loop(0, K // NB)
    def _(g):
        j0 = g * NB
        for b in range(NB):
            wait_idx(b)
            fire_gather(b)
        for b in range(NB):
            wait_gather(b)
            fire_scatter(b)
        for b in range(NB):
            wait_scatter(b)

            @pl.when(j0 + NB + b < K)
            def _():
                fire_idx(b, j0 + NB + b)

    plsc.subcore_barrier()
    pltpu.sync_copy(acc_sh.at[pl.ds(sid * RPT, RPT)],
                    out_hbm.at[cid, pl.ds(sid * RPT, RPT)])


def _dsum_body(degw_ref, dinv_ref):
    deg = jnp.sum(degw_ref[...], axis=0) + 1.0
    dinv_ref[...] = 1.0 / jnp.sqrt(deg)


_dsum = pl.pallas_call(
    _dsum_body,
    out_shape=jax.ShapeDtypeStruct((NP // D, D), jnp.float32),
)


def _tca_body(x_ref, w_ref, dinv_ref, y_ref):
    xw = jnp.dot(x_ref[...], w_ref[...],
                 preferred_element_type=jnp.float32,
                 precision=lax.Precision.HIGHEST)
    y_ref[...] = xw * dinv_ref[:N]


_tca = pl.pallas_call(
    _tca_body,
    out_shape=jax.ShapeDtypeStruct((N, D), jnp.float32),
)

BR = 2000


def _tcb1_body(acc_ref, y_ref, dinv_ref, bg_ref, gamma_ref, beta_ref, hn_ref):
    s = acc_ref[0] + acc_ref[1]
    agg = (s + y_ref[...]) * dinv_ref[...] + bg_ref[...]
    h = jnp.maximum(agg, 0.0)
    mu = jnp.mean(h, axis=1, keepdims=True)
    c = h - mu
    var = jnp.mean(c * c, axis=1, keepdims=True)
    hn_ref[...] = c / jnp.sqrt(var + 1e-5) * gamma_ref[...] + beta_ref[...]


_tcb1 = pl.pallas_call(
    _tcb1_body,
    grid=(N // BR,),
    in_specs=[
        pl.BlockSpec((2, BR, D), lambda i: (0, i, 0)),
        pl.BlockSpec((BR, D), lambda i: (i, 0)),
        pl.BlockSpec((BR, 1), lambda i: (i, 0)),
        pl.BlockSpec((1, D), lambda i: (0, 0)),
        pl.BlockSpec((1, D), lambda i: (0, 0)),
        pl.BlockSpec((1, D), lambda i: (0, 0)),
    ],
    out_specs=pl.BlockSpec((BR, D), lambda i: (i, 0)),
    out_shape=jax.ShapeDtypeStruct((N, D), jnp.float32),
)


NBK = N // 8
SLOTS = 512
CHK = 2000


def _tcb2_body(hn_ref, batch_c_ref, bf_ref, bl_ref, mixed_ref, cum_ref,
               bcf_ref, w1_ref, b1_ref, w2_ref, b2_ref, w3_ref, b3_ref,
               out_ref):
    hb = jnp.max(jnp.reshape(hn_ref[...], (NBK, 8, D)), axis=1)
    pure = bf_ref[...] == bl_ref[...]

    dn = (((0,), (0,)), ((), ()))
    hp = lax.Precision.HIGHEST
    ones_col = jnp.ones((CHK, 1), jnp.float32)

    def chunk(i, carry):
        seg_sum, cnt, crows, cgid, cval = carry
        cs = pl.ds(i * CHK, CHK)
        hc = hn_ref[cs]
        gio = lax.broadcasted_iota(jnp.int32, (CHK, NG), 1)
        maskt = (batch_c_ref[cs] == gio).astype(jnp.float32)
        seg_sum = seg_sum + lax.dot_general(
            maskt, hc, dn, preferred_element_type=jnp.float32, precision=hp)
        cnt = cnt + lax.dot_general(
            maskt, ones_col, dn, preferred_element_type=jnp.float32,
            precision=hp)
        kio = lax.broadcasted_iota(jnp.int32, (CHK, SLOTS), 1)
        selt = ((cum_ref[cs] == kio) & (mixed_ref[cs] > 0)
                ).astype(jnp.float32)
        crows = crows + lax.dot_general(
            selt, hc, dn, preferred_element_type=jnp.float32, precision=hp)
        cgid = cgid + lax.dot_general(
            selt, bcf_ref[cs], dn, preferred_element_type=jnp.float32,
            precision=hp)
        cval = cval + lax.dot_general(
            selt, ones_col, dn, preferred_element_type=jnp.float32,
            precision=hp)
        return seg_sum, cnt, crows, cgid, cval

    seg_sum, cnt, crows, cgid, cval = lax.fori_loop(
        0, N // CHK, chunk,
        (jnp.zeros((NG, D), jnp.float32), jnp.zeros((NG, 1), jnp.float32),
         jnp.zeros((SLOTS, D), jnp.float32),
         jnp.zeros((SLOTS, 1), jnp.float32),
         jnp.zeros((SLOTS, 1), jnp.float32)))
    mean = seg_sum / jnp.maximum(cnt, 1.0)

    gcol = lax.broadcasted_iota(jnp.int32, (NG, 1), 0)

    def body(g, mx):
        gf = g.astype(jnp.float32)
        bm = jnp.where(pure & (bf_ref[...] == g), hb, -jnp.inf)
        m1 = jnp.max(bm, axis=0, keepdims=True)
        cm = jnp.where((cgid == gf) & (cval > 0.5), crows, -jnp.inf)
        m2 = jnp.max(cm, axis=0, keepdims=True)
        m = jnp.maximum(m1, m2)
        return jnp.where(gcol == g, jnp.maximum(mx, m), mx)

    mx = lax.fori_loop(0, NG, body, jnp.full((NG, D), -jnp.inf, jnp.float32))
    mx = jnp.where(cnt > 0.0, mx, 0.0)

    gfeat = jnp.concatenate([mean, seg_sum, mx], axis=1)
    h1 = jnp.maximum(jnp.dot(gfeat, w1_ref[...],
                             preferred_element_type=jnp.float32,
                             precision=lax.Precision.HIGHEST) + b1_ref[...], 0.0)
    h2 = jnp.maximum(jnp.dot(h1, w2_ref[...],
                             preferred_element_type=jnp.float32,
                             precision=lax.Precision.HIGHEST) + b2_ref[...], 0.0)
    out_ref[...] = jnp.dot(h2, w3_ref[...],
                           preferred_element_type=jnp.float32,
                           precision=lax.Precision.HIGHEST) + b3_ref[...]


_tcb2 = pl.pallas_call(
    _tcb2_body,
    out_shape=jax.ShapeDtypeStruct((NG, NG), jnp.float32),
)


def kernel(x, edge_index, batch, W_gcn, b_gcn, gamma, beta,
           W1, b1, W2, b2, W3, b3):
    src = edge_index[0]
    dst = edge_index[1]
    srcp = jnp.concatenate(
        [src, jnp.zeros((PAD,), jnp.int32)]).reshape(NW * K, CH)
    pad_dst = N + (jnp.arange(PAD, dtype=jnp.int32) % (NP - N))
    dstp = jnp.concatenate([dst, pad_dst]).reshape(NW * K, CH)
    zeros128 = jnp.zeros((NP, D), jnp.float32)

    degf = _deg_kernel(dstp)
    dinv = _dsum(degf.reshape(NW, NP // D, D)).reshape(NP, 1)
    y = _tca(x, W_gcn, dinv)
    acc = _msg_kernel(srcp, dstp, y, zeros128)
    hn = _tcb1(acc, y, dinv, b_gcn.reshape(1, D), gamma.reshape(1, D),
               beta.reshape(1, D))

    bf = batch[0::8]
    bl = batch[7::8]
    mixed = jnp.repeat((bf != bl).astype(jnp.int32), 8)
    cum = jnp.cumsum(mixed) - mixed
    out = _tcb2(hn, batch.reshape(N, 1), bf.reshape(NBK, 1),
                bl.reshape(NBK, 1), mixed.reshape(N, 1), cum.reshape(N, 1),
                batch.astype(jnp.float32).reshape(N, 1),
                W1, b1.reshape(1, -1), W2, b2.reshape(1, -1),
                W3, b3.reshape(1, -1))
    return out

# --- scband reference (transcript-rebuilt; emitter-appended) ---
"""Pipeline reference for scband-graph-pooling-model-layer-1-51616916963374 (READ-ONLY COPY).

The authoritative reference and input builder live on the scoring server;
editing this copy changes nothing except your own understanding.
"""

import jax, jax.numpy as jnp
import numpy as np

N = 10000
E = 320000
D_IN = 128
D_H = 128
D_OUT = 64
N_GRAPHS = 64


def setup_inputs(seed: int = 0) -> dict:
    key = jax.random.key(seed)
    ks = jax.random.split(key, 12)
    scale = 0.05
    x = jax.random.normal(ks[0], (N, D_IN), dtype=jnp.float32)
    edge_index = jax.random.randint(ks[1], (2, E), 0, N, dtype=jnp.int32)
    batch = jnp.sort(jax.random.randint(ks[2], (N,), 0, N_GRAPHS, dtype=jnp.int32))
    W_gcn = jax.random.normal(ks[3], (D_IN, D_H), dtype=jnp.float32) * scale
    b_gcn = jnp.zeros((D_H,), dtype=jnp.float32)
    gamma = jnp.ones((D_H,), dtype=jnp.float32)
    beta = jnp.zeros((D_H,), dtype=jnp.float32)
    W1 = jax.random.normal(ks[4], (3 * D_H, D_H), dtype=jnp.float32) * scale
    b1 = jnp.zeros((D_H,), dtype=jnp.float32)
    W2 = jax.random.normal(ks[5], (D_H, D_H // 2), dtype=jnp.float32) * scale
    b2 = jnp.zeros((D_H // 2,), dtype=jnp.float32)
    W3 = jax.random.normal(ks[6], (D_H // 2, D_OUT), dtype=jnp.float32) * scale
    b3 = jnp.zeros((D_OUT,), dtype=jnp.float32)
    return {"x": x, "edge_index": edge_index, "batch": batch, "W_gcn": W_gcn, "b_gcn": b_gcn, "gamma": gamma, "beta": beta, "W1": W1, "b1": b1, "W2": W2, "b2": b2, "W3": W3, "b3": b3}


def _forward(x, edge_index, batch, W_gcn, b_gcn, gamma, beta, W1, b1, W2, b2, W3, b3):
    src = edge_index[0]
    dst = edge_index[1]
    loop = jnp.arange(N, dtype=src.dtype)
    src = jnp.concatenate([src, loop])
    dst = jnp.concatenate([dst, loop])
    # GCN symmetric normalization (with self loops), deg computed on dst as in PyG
    deg = jax.ops.segment_sum(jnp.ones_like(src, dtype=jnp.float32), dst, num_segments=N)
    dinv = jnp.where(deg > 0, 1.0 / jnp.sqrt(deg), 0.0)
    norm = dinv[src] * dinv[dst]
    xw = x @ W_gcn
    msgs = xw[src] * norm[:, None]
    agg = jax.ops.segment_sum(msgs, dst, num_segments=N) + b_gcn
    h = jax.nn.relu(agg)
    # LayerNorm
    mu = jnp.mean(h, axis=-1, keepdims=True)
    var = jnp.var(h, axis=-1, keepdims=True)
    h = (h - mu) / jnp.sqrt(var + 1e-5) * gamma + beta
    # global mean / add / max pooling over batch segment ids
    ones_n = jnp.ones((N,), dtype=jnp.float32)
    cnt = jax.ops.segment_sum(ones_n, batch, num_segments=N_GRAPHS)
    s = jax.ops.segment_sum(h, batch, num_segments=N_GRAPHS)
    mean = s / jnp.maximum(cnt, 1.0)[:, None]
    mx = jax.ops.segment_max(h, batch, num_segments=N_GRAPHS)
    mx = jnp.where(cnt[:, None] > 0, mx, 0.0)
    g = jnp.concatenate([mean, s, mx], axis=1)
    # MLP head (dropout is identity in eval/reference mode)
    g = jax.nn.relu(g @ W1 + b1)
    g = jax.nn.relu(g @ W2 + b2)
    return g @ W3 + b3


def reference(x, edge_index, batch, W_gcn, b_gcn, gamma, beta, W1, b1, W2, b2, W3, b3):
    return _forward(x, edge_index, batch, W_gcn, b_gcn, gamma, beta, W1, b1, W2, b2, W3, b3)

if __name__ == "__main__":
    import jax
    _d = setup_inputs()
    print(jax.jit(kernel)(*tuple(_d.values())))

</pallas_src>

<mosaic_0001>
#map = affine_map<(d0, d1) -> (0, 0)>
#map1 = affine_map<(d0, d1) -> (0)>
module attributes {stable_mosaic.version = 14 : i64} {
  func.func @_deg_kernel(%arg0: i32, %arg1: i32, %arg2: memref<2560x128xi32, #tpu.memory_space<hbm>>, %arg3: memref<327680xf32, #tpu.memory_space<hbm>>, %arg4: memref<80x128xi32, #tpu.memory_space<vmem>>, %arg5: memref<10240xf32, #tpu.memory_space<vmem>>) attributes {dimension_semantics = [#tpu.dimension_semantics<core_parallel>, #tpu.dimension_semantics<subcore_parallel>], iteration_bounds = array<i64: 2, 16>, scalar_prefetch = 0 : i64, scratch_operands = 2 : i64, tpu.core_type = #tpu.core_type<sc_vector_subcore>, window_params = [{transform_indices = #map}, {transform_indices = #map1}]} {
    %mul3A = arith.constant 2 : i32
    %mul3A_0 = arith.muli %arg1, %mul3A : i32
    %add3A = arith.addi %mul3A_0, %arg0 : i32
    %mul3A_1 = arith.constant 80 : i32
    %mul3A_2 = arith.muli %add3A, %mul3A_1 : i32
    "tpu.region"() ({
      %run_scoped3A = tpu.sem_alloc : memref<!tpu.dma_semaphore, #tpu.memory_space<semaphore_mem>>
      %dma_start3A = arith.constant 0 : i32
      %dma_start3A_15 = tpu.memref_slice %arg2[%mul3A_2, %dma_start3A] : memref<2560x128xi32, #tpu.memory_space<hbm>> -> memref<80x128xi32, #tpu.memory_space<hbm>>
      %dma_start3A_16 = arith.constant 0 : i32
      %dma_start3A_17 = tpu.memref_slice %arg2[%mul3A_2, %dma_start3A_16] : memref<2560x128xi32, #tpu.memory_space<hbm>> -> memref<80x128xi32, #tpu.memory_space<hbm>>
      tpu.enqueue_dma source(%dma_start3A_17 : memref<80x128xi32, #tpu.memory_space<hbm>>) target(%arg4 : memref<80x128xi32, #tpu.memory_space<vmem>>) target_semaphore(%run_scoped3A : memref<!tpu.dma_semaphore, #tpu.memory_space<semaphore_mem>>)
      %dma_wait3A = arith.constant 0 : i32
      %dma_wait3A_18 = tpu.memref_slice %arg2[%mul3A_2, %dma_wait3A] : memref<2560x128xi32, #tpu.memory_space<hbm>> -> memref<80x128xi32, #tpu.memory_space<hbm>>
      %dma_wait3A_19 = arith.constant 0 : i32
      %dma_wait3A_20 = tpu.memref_slice %arg2[%mul3A_2, %dma_wait3A_19] : memref<2560x128xi32, #tpu.memory_space<hbm>> -> memref<80x128xi32, #tpu.memory_space<hbm>>
      tpu.wait_dma2 semaphore(%run_scoped3A : memref<!tpu.dma_semaphore, #tpu.memory_space<semaphore_mem>>) src(%dma_wait3A_20 : memref<80x128xi32, #tpu.memory_space<hbm>>) dst(%arg4 : memref<80x128xi32, #tpu.memory_space<vmem>>)
      tpu.yield
    }) : () -> ()
    %scan3A = arith.constant 0 : i32
    %scan3A_3 = arith.constant 640 : i32
    %scan3A_4 = arith.addi %scan3A, %scan3A_3 : i32
    %scan3A_5 = arith.constant 1 : i32
    scf.for %scan3A_15 = %scan3A to %scan3A_4 step %scan3A_5  : i32 {
      %mul3A_16 = arith.constant 1 : i32
      %mul3A_17 = arith.muli %scan3A_15, %mul3A_16 : i32
      %add3A_18 = arith.constant 0 : i32
      %add3A_19 = arith.addi %add3A_18, %mul3A_17 : i32
      %broadcast_in_dim3A_20 = arith.constant 0.000000e+00 : f32
      %broadcast_in_dim3A_21 = vector.broadcast %broadcast_in_dim3A_20 : f32 to vector<16xf32>
      %mul3A_22 = arith.constant 16 : i32
      %mul3A_23 = arith.muli %add3A_19, %mul3A_22 : i32
      %swap3A = arith.index_cast %mul3A_23 : i32 to index
      %swap3A_24 = tpu.vector_load %arg5[%swap3A] {strides = array<i32>} : memref<10240xf32, #tpu.memory_space<vmem>>, vector<16xf32>,
      tpu.vector_store %arg5[%swap3A], %broadcast_in_dim3A_21 {strides = array<i32>} : memref<10240xf32, #tpu.memory_space<vmem>>, vector<16xf32>,
    }
    %scan3A_6 = arith.constant 640 : i32
    %broadcast_in_dim3A = arith.constant 1.000000e+00 : f32
    %broadcast_in_dim3A_7 = vector.broadcast %broadcast_in_dim3A : f32 to vector<16xf32>
    %scan3A_8 = arith.constant 0 : i32
    %scan3A_9 = arith.constant 80 : i32
    %scan3A_10 = arith.addi %scan3A_8, %scan3A_9 : i32
    %scan3A_11 = arith.constant 1 : i32
    scf.for %scan3A_15 = %scan3A_8 to %scan3A_10 step %scan3A_11  : i32 {
      %mul3A_16 = arith.constant 1 : i32
      %mul3A_17 = arith.muli %scan3A_15, %mul3A_16 : i32
      %add3A_18 = arith.constant 0 : i32
      %add3A_19 = arith.addi %add3A_18, %mul3A_17 : i32
      %scan3A_20 = arith.constant 0 : i32
      %scan3A_21 = arith.constant 8 : i32
      %scan3A_22 = arith.addi %scan3A_20, %scan3A_21 : i32
      %scan3A_23 = arith.constant 1 : i32
      scf.for %scan3A_25 = %scan3A_20 to %scan3A_22 step %scan3A_23  : i32 {
        %mul3A_26 = arith.constant 1 : i32
        %mul3A_27 = arith.muli %scan3A_25, %mul3A_26 : i32
        %add3A_28 = arith.constant 0 : i32
        %add3A_29 = arith.addi %add3A_28, %mul3A_27 : i32
        %mul3A_30 = arith.constant 16 : i32
        %mul3A_31 = arith.muli %add3A_29, %mul3A_30 : i32
        %get3A = arith.index_cast %add3A_19 : i32 to index
        %get3A_32 = arith.index_cast %mul3A_31 : i32 to index
        %get3A_33 = tpu.vector_load %arg4[%get3A, %get3A_32] {strides = array<i32>} : memref<80x128xi32, #tpu.memory_space<vmem>>, vector<16xi32>,
        tpu.vector_store_idx %arg5[%get3A_33], %broadcast_in_dim3A_7 {add = true} : memref<10240xf32, #tpu.memory_space<vmem>>[vector<16xi32>], vector<16xf32>,
      }
      %scan3A_24 = arith.constant 8 : i32
    }
    %scan3A_12 = arith.constant 80 : i32
    %mul3A_13 = arith.constant 10240 : i32
    %mul3A_14 = arith.muli %add3A, %mul3A_13 : i32
    "tpu.region"() ({
      %run_scoped3A = tpu.sem_alloc : memref<!tpu.dma_semaphore, #tpu.memory_space<semaphore_mem>>
      %dma_start3A = tpu.memref_slice %arg3[%mul3A_14] : memref<327680xf32, #tpu.memory_space<hbm>> -> memref<10240xf32, #tpu.memory_space<hbm>>
      %dma_start3A_15 = tpu.memref_slice %arg3[%mul3A_14] : memref<327680xf32, #tpu.memory_space<hbm>> -> memref<10240xf32, #tpu.memory_space<hbm>>
      tpu.enqueue_dma source(%arg5 : memref<10240xf32, #tpu.memory_space<vmem>>) target(%dma_start3A_15 : memref<10240xf32, #tpu.memory_space<hbm>>) target_semaphore(%run_scoped3A : memref<!tpu.dma_semaphore, #tpu.memory_space<semaphore_mem>>)
      %dma_wait3A = tpu.memref_slice %arg3[%mul3A_14] : memref<327680xf32, #tpu.memory_space<hbm>> -> memref<10240xf32, #tpu.memory_space<hbm>>
      %dma_wait3A_16 = tpu.memref_slice %arg3[%mul3A_14] : memref<327680xf32, #tpu.memory_space<hbm>> -> memref<10240xf32, #tpu.memory_space<hbm>>
      tpu.wait_dma2 semaphore(%run_scoped3A : memref<!tpu.dma_semaphore, #tpu.memory_space<semaphore_mem>>) src(%arg5 : memref<10240xf32, #tpu.memory_space<vmem>>) dst(%dma_wait3A_16 : memref<10240xf32, #tpu.memory_space<hbm>>)
      tpu.yield
    }) : () -> ()
    return
  }
}

#map = affine_map<(d0, d1) -> (0, 0)>
#map1 = affine_map<(d0, d1) -> (0, 0, 0)>
module attributes {stable_mosaic.version = 14 : i64} {
  func.func @_msg_kernel(%arg0: i32, %arg1: i32, %arg2: memref<2560x128xi32, #tpu.memory_space<hbm>>, %arg3: memref<2560x128xi32, #tpu.memory_space<hbm>>, %arg4: memref<10000x128xf32, #tpu.memory_space<hbm>>, %arg5: memref<10240x128xf32, #tpu.memory_space<hbm>>, %arg6: memref<2x10240x128xf32, #tpu.memory_space<hbm>>, %arg7: memref<128xi32, #tpu.memory_space<vmem>>, %arg8: memref<128xi32, #tpu.memory_space<vmem>>, %arg9: memref<128xi32, #tpu.memory_space<vmem>>, %arg10: memref<128xi32, #tpu.memory_space<vmem>>, %arg11: memref<128x128xf32, #tpu.memory_space<vmem>>, %arg12: memref<128x128xf32, #tpu.memory_space<vmem>>, %arg13: memref<10240x128xf32, #tpu.memory_space<vmem_shared>>, %arg14: memref<!tpu.dma_semaphore, #tpu.memory_space<semaphore_mem>>, %arg15: memref<!tpu.dma_semaphore, #tpu.memory_space<semaphore_mem>>, %arg16: memref<!tpu.dma_semaphore, #tpu.memory_space<semaphore_mem>>, %arg17: memref<!tpu.dma_semaphore, #tpu.memory_space<semaphore_mem>>, %arg18: memref<!tpu.dma_semaphore, #tpu.memory_space<semaphore_mem>>, %arg19: memref<!tpu.dma_semaphore, #tpu.memory_space<semaphore_mem>>, %arg20: memref<!tpu.dma_semaphore, #tpu.memory_space<semaphore_mem>>, %arg21: memref<!tpu.dma_semaphore, #tpu.memory_space<semaphore_mem>>) attributes {dimension_semantics = [#tpu.dimension_semantics<core_parallel>, #tpu.dimension_semantics<subcore_parallel>], iteration_bounds = array<i64: 2, 16>, scalar_prefetch = 0 : i64, scratch_operands = 15 : i64, tpu.core_type = #tpu.core_type<sc_vector_subcore>, window_params = [{transform_indices = #map}, {transform_indices = #map}, {transform_indices = #map}, {transform_indices = #map}, {transform_indices = #map1}]} {
    %mul3A = arith.constant 2 : i32
    %mul3A_0 = arith.muli %arg1, %mul3A : i32
    %add3A = arith.addi %mul3A_0, %arg0 : i32
    %mul3A_1 = arith.constant 80 : i32
    %mul3A_2 = arith.muli %add3A, %mul3A_1 : i32
    %add3A_3 = arith.constant 0 : i32
    %add3A_4 = arith.addi %mul3A_2, %add3A_3 : i32
    %dma_start3A = arith.constant 0 : i32
    %dma_start3A_5 = tpu.memref_slice %arg2[%add3A_4, %dma_start3A] : memref<2560x128xi32, #tpu.memory_space<hbm>> -> memref<1x128xi32, #tpu.memory_space<hbm>>
    %dma_start3A_6 = tpu.memref_squeeze %dma_start3A_5 : memref<1x128xi32, #tpu.memory_space<hbm>> -> memref<128xi32, #tpu.memory_space<hbm>>
    %dma_start3A_7 = arith.constant 0 : i32
    %dma_start3A_8 = tpu.memref_slice %arg2[%add3A_4, %dma_start3A_7] : memref<2560x128xi32, #tpu.memory_space<hbm>> -> memref<1x128xi32, #tpu.memory_space<hbm>>
    %dma_start3A_9 = tpu.memref_squeeze %dma_start3A_8 : memref<1x128xi32, #tpu.memory_space<hbm>> -> memref<128xi32, #tpu.memory_space<hbm>>
    tpu.enqueue_dma source(%dma_start3A_9 : memref<128xi32, #tpu.memory_space<hbm>>) target(%arg7 : memref<128xi32, #tpu.memory_space<vmem>>) target_semaphore(%arg14 : memref<!tpu.dma_semaphore, #tpu.memory_space<semaphore_mem>>)
    %mul3A_10 = arith.constant 80 : i32
    %mul3A_11 = arith.muli %add3A, %mul3A_10 : i32
    %add3A_12 = arith.constant 0 : i32
    %add3A_13 = arith.addi %mul3A_11, %add3A_12 : i32
    %dma_start3A_14 = arith.constant 0 : i32
    %dma_start3A_15 = tpu.memref_slice %arg3[%add3A_13, %dma_start3A_14] : memref<2560x128xi32, #tpu.memory_space<hbm>> -> memref<1x128xi32, #tpu.memory_space<hbm>>
    %dma_start3A_16 = tpu.memref_squeeze %dma_start3A_15 : memref<1x128xi32, #tpu.memory_space<hbm>> -> memref<128xi32, #tpu.memory_space<hbm>>
    %dma_start3A_17 = arith.constant 0 : i32
    %dma_start3A_18 = tpu.memref_slice %arg3[%add3A_13, %dma_start3A_17] : memref<2560x128xi32, #tpu.memory_space<hbm>> -> memref<1x128xi32, #tpu.memory_space<hbm>>
    %dma_start3A_19 = tpu.memref_squeeze %dma_start3A_18 : memref<1x128xi32, #tpu.memory_space<hbm>> -> memref<128xi32, #tpu.memory_space<hbm>>
    tpu.enqueue_dma source(%dma_start3A_19 : memref<128xi32, #tpu.memory_space<hbm>>) target(%arg9 : memref<128xi32, #tpu.memory_space<vmem>>) target_semaphore(%arg16 : memref<!tpu.dma_semaphore, #tpu.memory_space<semaphore_mem>>)
    %mul3A_20 = arith.constant 80 : i32
    %mul3A_21 = arith.muli %add3A, %mul3A_20 : i32
    %add3A_22 = arith.constant 1 : i32
    %add3A_23 = arith.addi %mul3A_21, %add3A_22 : i32
    %dma_start3A_24 = arith.constant 0 : i32
    %dma_start3A_25 = tpu.memref_slice %arg2[%add3A_23, %dma_start3A_24] : memref<2560x128xi32, #tpu.memory_space<hbm>> -> memref<1x128xi32, #tpu.memory_space<hbm>>
    %dma_start3A_26 = tpu.memref_squeeze %dma_start3A_25 : memref<1x128xi32, #tpu.memory_space<hbm>> -> memref<128xi32, #tpu.memory_space<hbm>>
    %dma_start3A_27 = arith.constant 0 : i32
    %dma_start3A_28 = tpu.memref_slice %arg2[%add3A_23, %dma_start3A_27] : memref<2560x128xi32, #tpu.memory_space<hbm>> -> memref<1x128xi32, #tpu.memory_space<hbm>>
    %dma_start3A_29 = tpu.memref_squeeze %dma_start3A_28 : memref<1x128xi32, #tpu.memory_space<hbm>> -> memref<128xi32, #tpu.memory_space<hbm>>
    tpu.enqueue_dma source(%dma_start3A_29 : memref<128xi32, #tpu.memory_space<hbm>>) target(%arg8 : memref<128xi32, #tpu.memory_space<vmem>>) target_semaphore(%arg15 : memref<!tpu.dma_semaphore, #tpu.memory_space<semaphore_mem>>)
    %mul3A_30 = arith.constant 80 : i32
    %mul3A_31 = arith.muli %add3A, %mul3A_30 : i32
    %add3A_32 = arith.constant 1 : i32
    %add3A_33 = arith.addi %mul3A_31, %add3A_32 : i32
    %dma_start3A_34 = arith.constant 0 : i32
    %dma_start3A_35 = tpu.memref_slice %arg3[%add3A_33, %dma_start3A_34] : memref<2560x128xi32, #tpu.memory_space<hbm>> -> memref<1x128xi32, #tpu.memory_space<hbm>>
    %dma_start3A_36 = tpu.memref_squeeze %dma_start3A_35 : memref<1x128xi32, #tpu.memory_space<hbm>> -> memref<128xi32, #tpu.memory_space<hbm>>
    %dma_start3A_37 = arith.constant 0 : i32
    %dma_start3A_38 = tpu.memref_slice %arg3[%add3A_33, %dma_start3A_37] : memref<2560x128xi32, #tpu.memory_space<hbm>> -> memref<1x128xi32, #tpu.memory_space<hbm>>
    %dma_start3A_39 = tpu.memref_squeeze %dma_start3A_38 : memref<1x128xi32, #tpu.memory_space<hbm>> -> memref<128xi32, #tpu.memory_space<hbm>>
    tpu.enqueue_dma source(%dma_start3A_39 : memref<128xi32, #tpu.memory_space<hbm>>) target(%arg10 : memref<128xi32, #tpu.memory_space<vmem>>) target_semaphore(%arg17 : memref<!tpu.dma_semaphore, #tpu.memory_space<semaphore_mem>>)
    %mul3A_40 = arith.constant 640 : i32
    %mul3A_41 = arith.muli %arg1, %mul3A_40 : i32
    %mul3A_42 = arith.constant 640 : i32
    %mul3A_43 = arith.muli %arg1, %mul3A_42 : i32
    "tpu.region"() ({
      %run_scoped3A = tpu.sem_alloc : memref<!tpu.dma_semaphore, #tpu.memory_space<semaphore_mem>>
      %dma_start3A_53 = arith.constant 0 : i32
      %dma_start3A_54 = tpu.memref_slice %arg13[%mul3A_43, %dma_start3A_53] : memref<10240x128xf32, #tpu.memory_space<vmem_shared>> -> memref<640x128xf32, #tpu.memory_space<vmem_shared>>
      %dma_start3A_55 = arith.constant 0 : i32
      %dma_start3A_56 = tpu.memref_slice %arg5[%mul3A_41, %dma_start3A_55] : memref<10240x128xf32, #tpu.memory_space<hbm>> -> memref<640x128xf32, #tpu.memory_space<hbm>>
      tpu.enqueue_dma source(%dma_start3A_56 : memref<640x128xf32, #tpu.memory_space<hbm>>) target(%dma_start3A_54 : memref<640x128xf32, #tpu.memory_space<vmem_shared>>) target_semaphore(%run_scoped3A : memref<!tpu.dma_semaphore, #tpu.memory_space<semaphore_mem>>)
      %dma_wait3A = arith.constant 0 : i32
      %dma_wait3A_57 = tpu.memref_slice %arg13[%mul3A_43, %dma_wait3A] : memref<10240x128xf32, #tpu.memory_space<vmem_shared>> -> memref<640x128xf32, #tpu.memory_space<vmem_shared>>
      %dma_wait3A_58 = arith.constant 0 : i32
      %dma_wait3A_59 = tpu.memref_slice %arg5[%mul3A_41, %dma_wait3A_58] : memref<10240x128xf32, #tpu.memory_space<hbm>> -> memref<640x128xf32, #tpu.memory_space<hbm>>
      tpu.wait_dma2 semaphore(%run_scoped3A : memref<!tpu.dma_semaphore, #tpu.memory_space<semaphore_mem>>) src(%dma_wait3A_59 : memref<640x128xf32, #tpu.memory_space<hbm>>) dst(%dma_wait3A_57 : memref<640x128xf32, #tpu.memory_space<vmem_shared>>)
      tpu.yield
    }) : () -> ()
    %barrier3A = arith.constant 0 : index
    tpu.barrier barrier_id(%barrier3A)
    %scan3A = arith.constant 0 : i32
    %scan3A_44 = arith.constant 40 : i32
    %scan3A_45 = arith.addi %scan3A, %scan3A_44 : i32
    %scan3A_46 = arith.constant 1 : i32
    scf.for %scan3A_53 = %scan3A to %scan3A_45 step %scan3A_46  : i32 {
      %mul3A_54 = arith.constant 1 : i32
      %mul3A_55 = arith.muli %scan3A_53, %mul3A_54 : i32
      %add3A_56 = arith.constant 0 : i32
      %add3A_57 = arith.addi %add3A_56, %mul3A_55 : i32
      %mul3A_58 = arith.constant 2 : i32
      %mul3A_59 = arith.muli %add3A_57, %mul3A_58 : i32
      %dma_wait3A = arith.constant 0 : i32
      %dma_wait3A_60 = arith.constant 0 : i32
      %dma_wait3A_61 = tpu.memref_slice %arg2[%dma_wait3A, %dma_wait3A_60] : memref<2560x128xi32, #tpu.memory_space<hbm>> -> memref<1x128xi32, #tpu.memory_space<hbm>>
      %dma_wait3A_62 = tpu.memref_squeeze %dma_wait3A_61 : memref<1x128xi32, #tpu.memory_space<hbm>> -> memref<128xi32, #tpu.memory_space<hbm>>
      %dma_wait3A_63 = arith.constant 0 : i32
      %dma_wait3A_64 = tpu.memref_slice %arg2[%dma_wait3A, %dma_wait3A_63] : memref<2560x128xi32, #tpu.memory_space<hbm>> -> memref<1x128xi32, #tpu.memory_space<hbm>>
      %dma_wait3A_65 = tpu.memref_squeeze %dma_wait3A_64 : memref<1x128xi32, #tpu.memory_space<hbm>> -> memref<128xi32, #tpu.memory_space<hbm>>
      tpu.wait_dma2 semaphore(%arg14 : memref<!tpu.dma_semaphore, #tpu.memory_space<semaphore_mem>>) src(%dma_wait3A_65 : memref<128xi32, #tpu.memory_space<hbm>>) dst(%arg7 : memref<128xi32, #tpu.memory_space<vmem>>)
      %dma_wait3A_66 = arith.constant 0 : i32
      %dma_wait3A_67 = arith.constant 0 : i32
      %dma_wait3A_68 = tpu.memref_slice %arg3[%dma_wait3A_66, %dma_wait3A_67] : memref<2560x128xi32, #tpu.memory_space<hbm>> -> memref<1x128xi32, #tpu.memory_space<hbm>>
      %dma_wait3A_69 = tpu.memref_squeeze %dma_wait3A_68 : memref<1x128xi32, #tpu.memory_space<hbm>> -> memref<128xi32, #tpu.memory_space<hbm>>
      %dma_wait3A_70 = arith.constant 0 : i32
      %dma_wait3A_71 = tpu.memref_slice %arg3[%dma_wait3A_66, %dma_wait3A_70] : memref<2560x128xi32, #tpu.memory_space<hbm>> -> memref<1x128xi32, #tpu.memory_space<hbm>>
      %dma_wait3A_72 = tpu.memref_squeeze %dma_wait3A_71 : memref<1x128xi32, #tpu.memory_space<hbm>> -> memref<128xi32, #tpu.memory_space<hbm>>
      tpu.wait_dma2 semaphore(%arg16 : memref<!tpu.dma_semaphore, #tpu.memory_space<semaphore_mem>>) src(%dma_wait3A_72 : memref<128xi32, #tpu.memory_space<hbm>>) dst(%arg9 : memref<128xi32, #tpu.memory_space<vmem>>)
      %dma_start3A_73 = arith.constant 0 : i32
      %dma_start3A_74 = arith.constant 0 : i32
      %dma_start3A_75 = tpu.memref_slice %arg4[%dma_start3A_73, %dma_start3A_74] : memref<10000x128xf32, #tpu.memory_space<hbm>> -> memref<10000x128xf32, #tpu.memory_space<hbm>>
      tpu.enqueue_indirect_dma source(%dma_start3A_75 : memref<10000x128xf32, #tpu.memory_space<hbm>>) target(%arg11 : memref<128x128xf32, #tpu.memory_space<vmem>>) offsets(%arg7 : memref<128xi32, #tpu.memory_space<vmem>>) semaphore(%arg18 : memref<!tpu.dma_semaphore, #tpu.memory_space<semaphore_mem>>)
      %dma_wait3A_76 = arith.constant 0 : i32
      %dma_wait3A_77 = arith.constant 0 : i32
      %dma_wait3A_78 = tpu.memref_slice %arg2[%dma_wait3A_76, %dma_wait3A_77] : memref<2560x128xi32, #tpu.memory_space<hbm>> -> memref<1x128xi32, #tpu.memory_space<hbm>>
      %dma_wait3A_79 = tpu.memref_squeeze %dma_wait3A_78 : memref<1x128xi32, #tpu.memory_space<hbm>> -> memref<128xi32, #tpu.memory_space<hbm>>
      %dma_wait3A_80 = arith.constant 0 : i32
      %dma_wait3A_81 = tpu.memref_slice %arg2[%dma_wait3A_76, %dma_wait3A_80] : memref<2560x128xi32, #tpu.memory_space<hbm>> -> memref<1x128xi32, #tpu.memory_space<hbm>>
      %dma_wait3A_82 = tpu.memref_squeeze %dma_wait3A_81 : memref<1x128xi32, #tpu.memory_space<hbm>> -> memref<128xi32, #tpu.memory_space<hbm>>
      tpu.wait_dma2 semaphore(%arg15 : memref<!tpu.dma_semaphore, #tpu.memory_space<semaphore_mem>>) src(%dma_wait3A_82 : memref<128xi32, #tpu.memory_space<hbm>>) dst(%arg8 : memref<128xi32, #tpu.memory_space<vmem>>)
      %dma_wait3A_83 = arith.constant 0 : i32
      %dma_wait3A_84 = arith.constant 0 : i32
      %dma_wait3A_85 = tpu.memref_slice %arg3[%dma_wait3A_83, %dma_wait3A_84] : memref<2560x128xi32, #tpu.memory_space<hbm>> -> memref<1x128xi32, #tpu.memory_space<hbm>>
      %dma_wait3A_86 = tpu.memref_squeeze %dma_wait3A_85 : memref<1x128xi32, #tpu.memory_space<hbm>> -> memref<128xi32, #tpu.memory_space<hbm>>
      %dma_wait3A_87 = arith.constant 0 : i32
      %dma_wait3A_88 = tpu.memref_slice %arg3[%dma_wait3A_83, %dma_wait3A_87] : memref<2560x128xi32, #tpu.memory_space<hbm>> -> memref<1x128xi32, #tpu.memory_space<hbm>>
      %dma_wait3A_89 = tpu.memref_squeeze %dma_wait3A_88 : memref<1x128xi32, #tpu.memory_space<hbm>> -> memref<128xi32, #tpu.memory_space<hbm>>
      tpu.wait_dma2 semaphore(%arg17 : memref<!tpu.dma_semaphore, #tpu.memory_space<semaphore_mem>>) src(%dma_wait3A_89 : memref<128xi32, #tpu.memory_space<hbm>>) dst(%arg10 : memref<128xi32, #tpu.memory_space<vmem>>)
      %dma_start3A_90 = arith.constant 0 : i32
      %dma_start3A_91 = arith.constant 0 : i32
      %dma_start3A_92 = tpu.memref_slice %arg4[%dma_start3A_90, %dma_start3A_91] : memref<10000x128xf32, #tpu.memory_space<hbm>> -> memref<10000x128xf32, #tpu.memory_space<hbm>>
      tpu.enqueue_indirect_dma source(%dma_start3A_92 : memref<10000x128xf32, #tpu.memory_space<hbm>>) target(%arg12 : memref<128x128xf32, #tpu.memory_space<vmem>>) offsets(%arg8 : memref<128xi32, #tpu.memory_space<vmem>>) semaphore(%arg19 : memref<!tpu.dma_semaphore, #tpu.memory_space<semaphore_mem>>)
      %dma_wait3A_93 = arith.constant 0 : i32
      %dma_wait3A_94 = arith.constant 0 : i32
      %dma_wait3A_95 = tpu.memref_slice %arg4[%dma_wait3A_93, %dma_wait3A_94] : memref<10000x128xf32, #tpu.memory_space<hbm>> -> memref<10000x128xf32, #tpu.memory_space<hbm>>
      tpu.wait_indirect_dma semaphore(%arg18 : memref<!tpu.dma_semaphore, #tpu.memory_space<semaphore_mem>>) src(%dma_wait3A_95 : memref<10000x128xf32, #tpu.memory_space<hbm>>) dst(%arg11 : memref<128x128xf32, #tpu.memory_space<vmem>>)
      %dma_start3A_96 = arith.constant 0 : i32
      %dma_start3A_97 = arith.constant 0 : i32
      %dma_start3A_98 = tpu.memref_slice %arg13[%dma_start3A_96, %dma_start3A_97] : memref<10240x128xf32, #tpu.memory_space<vmem_shared>> -> memref<10240x128xf32, #tpu.memory_space<vmem_shared>>
      tpu.enqueue_indirect_dma source(%arg11 : memref<128x128xf32, #tpu.memory_space<vmem>>) target(%dma_start3A_98 : memref<10240x128xf32, #tpu.memory_space<vmem_shared>>) offsets(%arg9 : memref<128xi32, #tpu.memory_space<vmem>>) semaphore(%arg20 : memref<!tpu.dma_semaphore, #tpu.memory_space<semaphore_mem>>) {add = true}
      %dma_wait3A_99 = arith.constant 0 : i32
      %dma_wait3A_100 = arith.constant 0 : i32
      %dma_wait3A_101 = tpu.memref_slice %arg4[%dma_wait3A_99, %dma_wait3A_100] : memref<10000x128xf32, #tpu.memory_space<hbm>> -> memref<10000x128xf32, #tpu.memory_space<hbm>>
      tpu.wait_indirect_dma semaphore(%arg19 : memref<!tpu.dma_semaphore, #tpu.memory_space<semaphore_mem>>) src(%dma_wait3A_101 : memref<10000x128xf32, #tpu.memory_space<hbm>>) dst(%arg12 : memref<128x128xf32, #tpu.memory_space<vmem>>)
      %dma_start3A_102 = arith.constant 0 : i32
      %dma_start3A_103 = arith.constant 0 : i32
      %dma_start3A_104 = tpu.memref_slice %arg13[%dma_start3A_102, %dma_start3A_103] : memref<10240x128xf32, #tpu.memory_space<vmem_shared>> -> memref<10240x128xf32, #tpu.memory_space<vmem_shared>>
      tpu.enqueue_indirect_dma source(%arg12 : memref<128x128xf32, #tpu.memory_space<vmem>>) target(%dma_start3A_104 : memref<10240x128xf32, #tpu.memory_space<vmem_shared>>) offsets(%arg10 : memref<128xi32, #tpu.memory_space<vmem>>) semaphore(%arg21 : memref<!tpu.dma_semaphore, #tpu.memory_space<semaphore_mem>>) {add = true}
      %dma_wait3A_105 = arith.constant 0 : i32
      %dma_wait3A_106 = arith.constant 0 : i32
      %dma_wait3A_107 = tpu.memref_slice %arg13[%dma_wait3A_105, %dma_wait3A_106] : memref<10240x128xf32, #tpu.memory_space<vmem_shared>> -> memref<10240x128xf32, #tpu.memory_space<vmem_shared>>
      tpu.wait_indirect_dma semaphore(%arg20 : memref<!tpu.dma_semaphore, #tpu.memory_space<semaphore_mem>>) src(%arg11 : memref<128x128xf32, #tpu.memory_space<vmem>>) dst(%dma_wait3A_107 : memref<10240x128xf32, #tpu.memory_space<vmem_shared>>)
      %add3A_108 = arith.constant 2 : i32
      %add3A_109 = arith.addi %mul3A_59, %add3A_108 : i32
      %add3A_110 = arith.constant 0 : i32
      %add3A_111 = arith.addi %add3A_109, %add3A_110 : i32
      %lt3A = arith.constant 80 : i32
      %lt3A_112 = arith.cmpi slt, %add3A_111, %lt3A : i32
      %convert_element_type3A = arith.extui %lt3A_112 : i1 to i32
      %cond3A = arith.constant 0 : i32
      %cond3A_113 = arith.cmpi ne, %convert_element_type3A, %cond3A : i32
      scf.if %cond3A_113 {
        %add3A_126 = arith.constant 2 : i32
        %add3A_127 = arith.addi %mul3A_59, %add3A_126 : i32
        %add3A_128 = arith.constant 0 : i32
        %add3A_129 = arith.addi %add3A_127, %add3A_128 : i32
        %mul3A_130 = arith.constant 80 : i32
        %mul3A_131 = arith.muli %add3A, %mul3A_130 : i32
        %add3A_132 = arith.addi %mul3A_131, %add3A_129 : i32
        %dma_start3A_133 = arith.constant 0 : i32
        %dma_start3A_134 = tpu.memref_slice %arg2[%add3A_132, %dma_start3A_133] : memref<2560x128xi32, #tpu.memory_space<hbm>> -> memref<1x128xi32, #tpu.memory_space<hbm>>
        %dma_start3A_135 = tpu.memref_squeeze %dma_start3A_134 : memref<1x128xi32, #tpu.memory_space<hbm>> -> memref<128xi32, #tpu.memory_space<hbm>>
        %dma_start3A_136 = arith.constant 0 : i32
        %dma_start3A_137 = tpu.memref_slice %arg2[%add3A_132, %dma_start3A_136] : memref<2560x128xi32, #tpu.memory_space<hbm>> -> memref<1x128xi32, #tpu.memory_space<hbm>>
        %dma_start3A_138 = tpu.memref_squeeze %dma_start3A_137 : memref<1x128xi32, #tpu.memory_space<hbm>> -> memref<128xi32, #tpu.memory_space<hbm>>
        tpu.enqueue_dma source(%dma_start3A_138 : memref<128xi32, #tpu.memory_space<hbm>>) target(%arg7 : memref<128xi32, #tpu.memory_space<vmem>>) target_semaphore(%arg14 : memref<!tpu.dma_semaphore, #tpu.memory_space<semaphore_mem>>)
        %mul3A_139 = arith.constant 80 : i32
        %mul3A_140 = arith.muli %add3A, %mul3A_139 : i32
        %add3A_141 = arith.addi %mul3A_140, %add3A_129 : i32
        %dma_start3A_142 = arith.constant 0 : i32
        %dma_start3A_143 = tpu.memref_slice %arg3[%add3A_141, %dma_start3A_142] : memref<2560x128xi32, #tpu.memory_space<hbm>> -> memref<1x128xi32, #tpu.memory_space<hbm>>
        %dma_start3A_144 = tpu.memref_squeeze %dma_start3A_143 : memref<1x128xi32, #tpu.memory_space<hbm>> -> memref<128xi32, #tpu.memory_space<hbm>>
        %dma_start3A_145 = arith.constant 0 : i32
        %dma_start3A_146 = tpu.memref_slice %arg3[%add3A_141, %dma_start3A_145] : memref<2560x128xi32, #tpu.memory_space<hbm>> -> memref<1x128xi32, #tpu.memory_space<hbm>>
        %dma_start3A_147 = tpu.memref_squeeze %dma_start3A_146 : memref<1x128xi32, #tpu.memory_space<hbm>> -> memref<128xi32, #tpu.memory_space<hbm>>
        tpu.enqueue_dma source(%dma_start3A_147 : memref<128xi32, #tpu.memory_space<hbm>>) target(%arg9 : memref<128xi32, #tpu.memory_space<vmem>>) target_semaphore(%arg16 : memref<!tpu.dma_semaphore, #tpu.memory_space<semaphore_mem>>)
      } else {
      }
      %dma_wait3A_114 = arith.constant 0 : i32
      %dma_wait3A_115 = arith.constant 0 : i32
      %dma_wait3A_116 = tpu.memref_slice %arg13[%dma_wait3A_114, %dma_wait3A_115] : memref<10240x128xf32, #tpu.memory_space<vmem_shared>> -> memref<10240x128xf32, #tpu.memory_space<vmem_shared>>
      tpu.wait_indirect_dma semaphore(%arg21 : memref<!tpu.dma_semaphore, #tpu.memory_space<semaphore_mem>>) src(%arg12 : memref<128x128xf32, #tpu.memory_space<vmem>>) dst(%dma_wait3A_116 : memref<10240x128xf32, #tpu.memory_space<vmem_shared>>)
      %add3A_117 = arith.constant 2 : i32
      %add3A_118 = arith.addi %mul3A_59, %add3A_117 : i32
      %add3A_119 = arith.constant 1 : i32
      %add3A_120 = arith.addi %add3A_118, %add3A_119 : i32
      %lt3A_121 = arith.constant 80 : i32
      %lt3A_122 = arith.cmpi slt, %add3A_120, %lt3A_121 : i32
      %convert_element_type3A_123 = arith.extui %lt3A_122 : i1 to i32
      %cond3A_124 = arith.constant 0 : i32
      %cond3A_125 = arith.cmpi ne, %convert_element_type3A_123, %cond3A_124 : i32
      scf.if %cond3A_125 {
        %add3A_126 = arith.constant 2 : i32
        %add3A_127 = arith.addi %mul3A_59, %add3A_126 : i32
        %add3A_128 = arith.constant 1 : i32
        %add3A_129 = arith.addi %add3A_127, %add3A_128 : i32
        %mul3A_130 = arith.constant 80 : i32
        %mul3A_131 = arith.muli %add3A, %mul3A_130 : i32
        %add3A_132 = arith.addi %mul3A_131, %add3A_129 : i32
        %dma_start3A_133 = arith.constant 0 : i32
        %dma_start3A_134 = tpu.memref_slice %arg2[%add3A_132, %dma_start3A_133] : memref<2560x128xi32, #tpu.memory_space<hbm>> -> memref<1x128xi32, #tpu.memory_space<hbm>>
        %dma_start3A_135 = tpu.memref_squeeze %dma_start3A_134 : memref<1x128xi32, #tpu.memory_space<hbm>> -> memref<128xi32, #tpu.memory_space<hbm>>
        %dma_start3A_136 = arith.constant 0 : i32
        %dma_start3A_137 = tpu.memref_slice %arg2[%add3A_132, %dma_start3A_136] : memref<2560x128xi32, #tpu.memory_space<hbm>> -> memref<1x128xi32, #tpu.memory_space<hbm>>
        %dma_start3A_138 = tpu.memref_squeeze %dma_start3A_137 : memref<1x128xi32, #tpu.memory_space<hbm>> -> memref<128xi32, #tpu.memory_space<hbm>>
        tpu.enqueue_dma source(%dma_start3A_138 : memref<128xi32, #tpu.memory_space<hbm>>) target(%arg8 : memref<128xi32, #tpu.memory_space<vmem>>) target_semaphore(%arg15 : memref<!tpu.dma_semaphore, #tpu.memory_space<semaphore_mem>>)
        %mul3A_139 = arith.constant 80 : i32
        %mul3A_140 = arith.muli %add3A, %mul3A_139 : i32
        %add3A_141 = arith.addi %mul3A_140, %add3A_129 : i32
        %dma_start3A_142 = arith.constant 0 : i32
        %dma_start3A_143 = tpu.memref_slice %arg3[%add3A_141, %dma_start3A_142] : memref<2560x128xi32, #tpu.memory_space<hbm>> -> memref<1x128xi32, #tpu.memory_space<hbm>>
        %dma_start3A_144 = tpu.memref_squeeze %dma_start3A_143 : memref<1x128xi32, #tpu.memory_space<hbm>> -> memref<128xi32, #tpu.memory_space<hbm>>
        %dma_start3A_145 = arith.constant 0 : i32
        %dma_start3A_146 = tpu.memref_slice %arg3[%add3A_141, %dma_start3A_145] : memref<2560x128xi32, #tpu.memory_space<hbm>> -> memref<1x128xi32, #tpu.memory_space<hbm>>
        %dma_start3A_147 = tpu.memref_squeeze %dma_start3A_146 : memref<1x128xi32, #tpu.memory_space<hbm>> -> memref<128xi32, #tpu.memory_space<hbm>>
        tpu.enqueue_dma source(%dma_start3A_147 : memref<128xi32, #tpu.memory_space<hbm>>) target(%arg10 : memref<128xi32, #tpu.memory_space<vmem>>) target_semaphore(%arg17 : memref<!tpu.dma_semaphore, #tpu.memory_space<semaphore_mem>>)
      } else {
      }
    }
    %scan3A_47 = arith.constant 40 : i32
    %barrier3A_48 = arith.constant 0 : index
    tpu.barrier barrier_id(%barrier3A_48)
    %mul3A_49 = arith.constant 640 : i32
    %mul3A_50 = arith.muli %arg1, %mul3A_49 : i32
    %mul3A_51 = arith.constant 640 : i32
    %mul3A_52 = arith.muli %arg1, %mul3A_51 : i32
    "tpu.region"() ({
      %run_scoped3A = tpu.sem_alloc : memref<!tpu.dma_semaphore, #tpu.memory_space<semaphore_mem>>
      %dma_start3A_53 = arith.constant 0 : i32
      %dma_start3A_54 = tpu.memref_slice %arg6[%arg0, %mul3A_52, %dma_start3A_53] : memref<2x10240x128xf32, #tpu.memory_space<hbm>> -> memref<1x640x128xf32, #tpu.memory_space<hbm>>
      %dma_start3A_55 = tpu.memref_squeeze %dma_start3A_54 : memref<1x640x128xf32, #tpu.memory_space<hbm>> -> memref<640x128xf32, #tpu.memory_space<hbm>>
      %dma_start3A_56 = arith.constant 0 : i32
      %dma_start3A_57 = tpu.memref_slice %arg13[%mul3A_50, %dma_start3A_56] : memref<10240x128xf32, #tpu.memory_space<vmem_shared>> -> memref<640x128xf32, #tpu.memory_space<vmem_shared>>
      tpu.enqueue_dma source(%dma_start3A_57 : memref<640x128xf32, #tpu.memory_space<vmem_shared>>) target(%dma_start3A_55 : memref<640x128xf32, #tpu.memory_space<hbm>>) target_semaphore(%run_scoped3A : memref<!tpu.dma_semaphore, #tpu.memory_space<semaphore_mem>>)
      %dma_wait3A = arith.constant 0 : i32
      %dma_wait3A_58 = tpu.memref_slice %arg6[%arg0, %mul3A_52, %dma_wait3A] : memref<2x10240x128xf32, #tpu.memory_space<hbm>> -> memref<1x640x128xf32, #tpu.memory_space<hbm>>
      %dma_wait3A_59 = tpu.memref_squeeze %dma_wait3A_58 : memref<1x640x128xf32, #tpu.memory_space<hbm>> -> memref<640x128xf32, #tpu.memory_space<hbm>>
      %dma_wait3A_60 = arith.constant 0 : i32
      %dma_wait3A_61 = tpu.memref_slice %arg13[%mul3A_50, %dma_wait3A_60] : memref<10240x128xf32, #tpu.memory_space<vmem_shared>> -> memref<640x128xf32, #tpu.memory_space<vmem_shared>>
      tpu.wait_dma2 semaphore(%run_scoped3A : memref<!tpu.dma_semaphore, #tpu.memory_space<semaphore_mem>>) src(%dma_wait3A_61 : memref<640x128xf32, #tpu.memory_space<vmem_shared>>) dst(%dma_wait3A_59 : memref<640x128xf32, #tpu.memory_space<hbm>>)
      tpu.yield
    }) : () -> ()
    return
  }
}

module attributes {stable_mosaic.version = 14 : i64} {
  func.func @_dsum_body(%arg0: memref<32x80x128xf32, #tpu.memory_space<vmem>>, %arg1: memref<80x128xf32, #tpu.memory_space<vmem>>) attributes {dimension_semantics = [], scalar_prefetch = 0 : i64, scratch_operands = 0 : i64, tpu.core_type = #tpu.core_type<tc>} {
    %get3A = arith.constant 0 : index
    %get3A_0 = arith.constant 0 : index
    %get3A_1 = arith.constant 0 : index
    %get3A_2 = vector.load %arg0[%get3A, %get3A_0, %get3A_1] : memref<32x80x128xf32, #tpu.memory_space<vmem>>, vector<32x80x128xf32>
    %reduce_sum3A = arith.constant dense<0.000000e+00> : vector<80x128xf32>
    %reduce_sum3A_3 = vector.multi_reduction <add>, %get3A_2, %reduce_sum3A [0] : vector<32x80x128xf32> to vector<80x128xf32>
    %add3A = arith.constant 1.000000e+00 : f32
    %add3A_4 = vector.broadcast %add3A : f32 to vector<80x128xf32>
    %add3A_5 = arith.addf %reduce_sum3A_3, %add3A_4 : vector<80x128xf32>
    %sqrt3A = math.sqrt %add3A_5 : vector<80x128xf32>
    %div3A = arith.constant 1.000000e+00 : f32
    %div3A_6 = vector.broadcast %div3A : f32 to vector<80x128xf32>
    %div3A_7 = arith.divf %div3A_6, %sqrt3A : vector<80x128xf32>
    %swap3A = arith.constant 0 : index
    %swap3A_8 = arith.constant 0 : index
    %swap3A_9 = vector.load %arg1[%swap3A, %swap3A_8] : memref<80x128xf32, #tpu.memory_space<vmem>>, vector<80x128xf32>
    tpu.vector_store %arg1[%swap3A, %swap3A_8], %div3A_7 {strides = array<i32>} : memref<80x128xf32, #tpu.memory_space<vmem>>, vector<80x128xf32>,
    return
  }
}

module attributes {stable_mosaic.version = 14 : i64} {
  func.func @_tca_body(%arg0: memref<10000x128xf32, #tpu.memory_space<vmem>>, %arg1: memref<128x128xf32, #tpu.memory_space<vmem>>, %arg2: memref<10240x1xf32, #tpu.memory_space<vmem>>, %arg3: memref<10000x128xf32, #tpu.memory_space<vmem>>) attributes {dimension_semantics = [], scalar_prefetch = 0 : i64, scratch_operands = 0 : i64, tpu.core_type = #tpu.core_type<tc>} {
    %get3A = arith.constant 0 : index
    %get3A_0 = arith.constant 0 : index
    %get3A_1 = vector.load %arg0[%get3A, %get3A_0] : memref<10000x128xf32, #tpu.memory_space<vmem>>, vector<10000x128xf32>
    %get3A_2 = arith.constant 0 : index
    %get3A_3 = arith.constant 0 : index
    %get3A_4 = vector.load %arg1[%get3A_2, %get3A_3] : memref<128x128xf32, #tpu.memory_space<vmem>>, vector<128x128xf32>
    %dot_general3A = arith.constant dense<0.000000e+00> : vector<10000x128xf32>
    %dot_general3A_5 = tpu.matmul %get3A_1, %get3A_4, %dot_general3A {dimension_numbers = #tpu.dot_dimension_numbers<[1], [0], [0], [1], [0, 0, 1, 1], [], []>, precision = #tpu.contract_precision<fp32>, transpose_lhs_hint = false} : vector<10000x128xf32>, vector<128x128xf32>, vector<10000x128xf32> -> vector<10000x128xf32>
    %get3A_6 = arith.constant 0 : index
    %get3A_7 = arith.constant 0 : index
    %get3A_8 = vector.load %arg2[%get3A_6, %get3A_7] : memref<10240x1xf32, #tpu.memory_space<vmem>>, vector<10000x1xf32>
    %mul3A = vector.broadcast %get3A_8 : vector<10000x1xf32> to vector<10000x128xf32>
    %mul3A_9 = arith.mulf %dot_general3A_5, %mul3A : vector<10000x128xf32>
    %swap3A = arith.constant 0 : index
    %swap3A_10 = arith.constant 0 : index
    %swap3A_11 = vector.load %arg3[%swap3A, %swap3A_10] : memref<10000x128xf32, #tpu.memory_space<vmem>>, vector<10000x128xf32>
    tpu.vector_store %arg3[%swap3A, %swap3A_10], %mul3A_9 {strides = array<i32>} : memref<10000x128xf32, #tpu.memory_space<vmem>>, vector<10000x128xf32>,
    return
  }
}

module attributes {stable_mosaic.version = 14 : i64} {
  func.func @_tcb1_body(%arg0: i32, %arg1: memref<2x2000x128xf32, #tpu.memory_space<vmem>>, %arg2: memref<2000x128xf32, #tpu.memory_space<vmem>>, %arg3: memref<2000x1xf32, #tpu.memory_space<vmem>>, %arg4: memref<1x128xf32, #tpu.memory_space<vmem>>, %arg5: memref<1x128xf32, #tpu.memory_space<vmem>>, %arg6: memref<1x128xf32, #tpu.memory_space<vmem>>, %arg7: memref<2000x128xf32, #tpu.memory_space<vmem>>) attributes {dimension_semantics = [#tpu.dimension_semantics<arbitrary>], iteration_bounds = array<i64: 5>, scalar_prefetch = 0 : i64, scratch_operands = 0 : i64, tpu.core_type = #tpu.core_type<tc>, window_params = [{transform_indices = @transform_0, window_bounds = array<i64: 2, 2000, 128>}, {transform_indices = @transform_1, window_bounds = array<i64: 2000, 128>}, {transform_indices = @transform_2, window_bounds = array<i64: 2000, 1>}, {pipeline_mode = #tpu.pipeline_mode<synchronous>, transform_indices = @transform_3, window_bounds = array<i64: 1, 128>}, {pipeline_mode = #tpu.pipeline_mode<synchronous>, transform_indices = @transform_4, window_bounds = array<i64: 1, 128>}, {pipeline_mode = #tpu.pipeline_mode<synchronous>, transform_indices = @transform_5, window_bounds = array<i64: 1, 128>}, {transform_indices = @transform_6, window_bounds = array<i64: 2000, 128>}]} {
    %get3A = arith.constant 0 : index
    %get3A_0 = arith.constant 0 : index
    %get3A_1 = arith.constant 0 : index
    %get3A_2 = vector.load %arg1[%get3A, %get3A_0, %get3A_1] : memref<2x2000x128xf32, #tpu.memory_space<vmem>>, vector<1x2000x128xf32>
    %get3A_3 = vector.shape_cast %get3A_2 : vector<1x2000x128xf32> to vector<2000x128xf32>
    %get3A_4 = arith.constant 1 : index
    %get3A_5 = arith.constant 0 : index
    %get3A_6 = arith.constant 0 : index
    %get3A_7 = vector.load %arg1[%get3A_4, %get3A_5, %get3A_6] : memref<2x2000x128xf32, #tpu.memory_space<vmem>>, vector<1x2000x128xf32>
    %get3A_8 = vector.shape_cast %get3A_7 : vector<1x2000x128xf32> to vector<2000x128xf32>
    %add3A = arith.addf %get3A_3, %get3A_8 : vector<2000x128xf32>
    %get3A_9 = arith.constant 0 : index
    %get3A_10 = arith.constant 0 : index
    %get3A_11 = vector.load %arg2[%get3A_9, %get3A_10] : memref<2000x128xf32, #tpu.memory_space<vmem>>, vector<2000x128xf32>
    %add3A_12 = arith.addf %add3A, %get3A_11 : vector<2000x128xf32>
    %get3A_13 = arith.constant 0 : index
    %get3A_14 = arith.constant 0 : index
    %get3A_15 = vector.load %arg3[%get3A_13, %get3A_14] : memref<2000x1xf32, #tpu.memory_space<vmem>>, vector<2000x1xf32>
    %mul3A = vector.broadcast %get3A_15 : vector<2000x1xf32> to vector<2000x128xf32>
    %mul3A_16 = arith.mulf %add3A_12, %mul3A : vector<2000x128xf32>
    %get3A_17 = arith.constant 0 : index
    %get3A_18 = arith.constant 0 : index
    %get3A_19 = vector.load %arg4[%get3A_17, %get3A_18] : memref<1x128xf32, #tpu.memory_space<vmem>>, vector<1x128xf32>
    %add3A_20 = vector.broadcast %get3A_19 : vector<1x128xf32> to vector<2000x128xf32>
    %add3A_21 = arith.addf %mul3A_16, %add3A_20 : vector<2000x128xf32>
    %max3A = arith.constant 0.000000e+00 : f32
    %max3A_22 = vector.broadcast %max3A : f32 to vector<2000x128xf32>
    %max3A_23 = arith.maximumf %add3A_21, %max3A_22 : vector<2000x128xf32>
    %reduce_sum3A = arith.constant dense<0.000000e+00> : vector<2000xf32>
    %reduce_sum3A_24 = vector.multi_reduction <add>, %max3A_23, %reduce_sum3A [1] : vector<2000x128xf32> to vector<2000xf32>
    %broadcast_in_dim3A = vector.shape_cast %reduce_sum3A_24 : vector<2000xf32> to vector<2000x1xf32>
    %div3A = arith.constant 1.280000e+02 : f32
    %div3A_25 = vector.broadcast %div3A : f32 to vector<2000x1xf32>
    %div3A_26 = arith.divf %broadcast_in_dim3A, %div3A_25 : vector<2000x1xf32>
    %sub3A = vector.broadcast %div3A_26 : vector<2000x1xf32> to vector<2000x128xf32>
    %sub3A_27 = arith.subf %max3A_23, %sub3A : vector<2000x128xf32>
    %mul3A_28 = arith.mulf %sub3A_27, %sub3A_27 : vector<2000x128xf32>
    %reduce_sum3A_29 = arith.constant dense<0.000000e+00> : vector<2000xf32>
    %reduce_sum3A_30 = vector.multi_reduction <add>, %mul3A_28, %reduce_sum3A_29 [1] : vector<2000x128xf32> to vector<2000xf32>
    %broadcast_in_dim3A_31 = vector.shape_cast %reduce_sum3A_30 : vector<2000xf32> to vector<2000x1xf32>
    %div3A_32 = arith.constant 1.280000e+02 : f32
    %div3A_33 = vector.broadcast %div3A_32 : f32 to vector<2000x1xf32>
    %div3A_34 = arith.divf %broadcast_in_dim3A_31, %div3A_33 : vector<2000x1xf32>
    %add3A_35 = arith.constant 9.99999974E-6 : f32
    %add3A_36 = vector.broadcast %add3A_35 : f32 to vector<2000x1xf32>
    %add3A_37 = arith.addf %div3A_34, %add3A_36 : vector<2000x1xf32>
    %sqrt3A = math.sqrt %add3A_37 : vector<2000x1xf32>
    %div3A_38 = vector.broadcast %sqrt3A : vector<2000x1xf32> to vector<2000x128xf32>
    %div3A_39 = arith.divf %sub3A_27, %div3A_38 : vector<2000x128xf32>
    %get3A_40 = arith.constant 0 : index
    %get3A_41 = arith.constant 0 : index
    %get3A_42 = vector.load %arg5[%get3A_40, %get3A_41] : memref<1x128xf32, #tpu.memory_space<vmem>>, vector<1x128xf32>
    %mul3A_43 = vector.broadcast %get3A_42 : vector<1x128xf32> to vector<2000x128xf32>
    %mul3A_44 = arith.mulf %div3A_39, %mul3A_43 : vector<2000x128xf32>
    %get3A_45 = arith.constant 0 : index
    %get3A_46 = arith.constant 0 : index
    %get3A_47 = vector.load %arg6[%get3A_45, %get3A_46] : memref<1x128xf32, #tpu.memory_space<vmem>>, vector<1x128xf32>
    %add3A_48 = vector.broadcast %get3A_47 : vector<1x128xf32> to vector<2000x128xf32>
    %add3A_49 = arith.addf %mul3A_44, %add3A_48 : vector<2000x128xf32>
    %swap3A = arith.constant 0 : index
    %swap3A_50 = arith.constant 0 : index
    %swap3A_51 = vector.load %arg7[%swap3A, %swap3A_50] : memref<2000x128xf32, #tpu.memory_space<vmem>>, vector<2000x128xf32>
    tpu.vector_store %arg7[%swap3A, %swap3A_50], %add3A_49 {strides = array<i32>} : memref<2000x128xf32, #tpu.memory_space<vmem>>, vector<2000x128xf32>,
    return
  }
  func.func @transform_0(%arg0: i32) -> (i32, i32, i32) {
    %c0_i32 = arith.constant 0 : i32
    %c0_i32_0 = arith.constant 0 : i32
    %c0_i32_1 = arith.constant 0 : i32
    return %c0_i32, %arg0, %c0_i32_0 : i32, i32, i32
  }
  func.func @transform_1(%arg0: i32) -> (i32, i32) {
    %c0_i32 = arith.constant 0 : i32
    %c0_i32_0 = arith.constant 0 : i32
    return %arg0, %c0_i32 : i32, i32
  }
  func.func @transform_2(%arg0: i32) -> (i32, i32) {
    %c0_i32 = arith.constant 0 : i32
    %c0_i32_0 = arith.constant 0 : i32
    return %arg0, %c0_i32 : i32, i32
  }
  func.func @transform_3(%arg0: i32) -> (i32, i32) {
    %c0_i32 = arith.constant 0 : i32
    %c0_i32_0 = arith.constant 0 : i32
    %c0_i32_1 = arith.constant 0 : i32
    return %c0_i32, %c0_i32_0 : i32, i32
  }
  func.func @transform_4(%arg0: i32) -> (i32, i32) {
    %c0_i32 = arith.constant 0 : i32
    %c0_i32_0 = arith.constant 0 : i32
    %c0_i32_1 = arith.constant 0 : i32
    return %c0_i32, %c0_i32_0 : i32, i32
  }
  func.func @transform_5(%arg0: i32) -> (i32, i32) {
    %c0_i32 = arith.constant 0 : i32
    %c0_i32_0 = arith.constant 0 : i32
    %c0_i32_1 = arith.constant 0 : i32
    return %c0_i32, %c0_i32_0 : i32, i32
  }
  func.func @transform_6(%arg0: i32) -> (i32, i32) {
    %c0_i32 = arith.constant 0 : i32
    %c0_i32_0 = arith.constant 0 : i32
    return %arg0, %c0_i32 : i32, i32
  }
}

module attributes {stable_mosaic.version = 14 : i64} {
  func.func @_tcb2_body(%arg0: memref<10000x128xf32, #tpu.memory_space<vmem>>, %arg1: memref<10000x1xi32, #tpu.memory_space<vmem>>, %arg2: memref<1250x1xi32, #tpu.memory_space<vmem>>, %arg3: memref<1250x1xi32, #tpu.memory_space<vmem>>, %arg4: memref<10000x1xi32, #tpu.memory_space<vmem>>, %arg5: memref<10000x1xi32, #tpu.memory_space<vmem>>, %arg6: memref<10000x1xf32, #tpu.memory_space<vmem>>, %arg7: memref<384x128xf32, #tpu.memory_space<vmem>>, %arg8: memref<1x128xf32, #tpu.memory_space<vmem>>, %arg9: memref<128x64xf32, #tpu.memory_space<vmem>>, %arg10: memref<1x64xf32, #tpu.memory_space<vmem>>, %arg11: memref<64x64xf32, #tpu.memory_space<vmem>>, %arg12: memref<1x64xf32, #tpu.memory_space<vmem>>, %arg13: memref<64x64xf32, #tpu.memory_space<vmem>>) attributes {dimension_semantics = [], scalar_prefetch = 0 : i64, scratch_operands = 0 : i64, tpu.core_type = #tpu.core_type<tc>} {
    %get3A = arith.constant 0 : index
    %get3A_0 = arith.constant 0 : index
    %get3A_1 = vector.load %arg0[%get3A, %get3A_0] : memref<10000x128xf32, #tpu.memory_space<vmem>>, vector<10000x128xf32>
    %reshape3A = vector.shape_cast %get3A_1 : vector<10000x128xf32> to vector<1250x8x128xf32>
    %reduce_max3A = arith.constant dense<0xFF800000> : vector<1250x128xf32>
    %reduce_max3A_2 = vector.multi_reduction <maximumf>, %reshape3A, %reduce_max3A [1] : vector<1250x8x128xf32> to vector<1250x128xf32>
    %get3A_3 = arith.constant 0 : index
    %get3A_4 = arith.constant 0 : index
    %get3A_5 = vector.load %arg2[%get3A_3, %get3A_4] : memref<1250x1xi32, #tpu.memory_space<vmem>>, vector<1250x1xi32>
    %get3A_6 = arith.constant 0 : index
    %get3A_7 = arith.constant 0 : index
    %get3A_8 = vector.load %arg3[%get3A_6, %get3A_7] : memref<1250x1xi32, #tpu.memory_space<vmem>>, vector<1250x1xi32>
    %eq3A = arith.cmpi eq, %get3A_5, %get3A_8 : vector<1250x1xi32>
    %broadcast_in_dim3A = arith.constant 1.000000e+00 : f32
    %broadcast_in_dim3A_9 = vector.broadcast %broadcast_in_dim3A : f32 to vector<2000x1xf32>
    %broadcast_in_dim3A_10 = arith.constant 0.000000e+00 : f32
    %broadcast_in_dim3A_11 = vector.broadcast %broadcast_in_dim3A_10 : f32 to vector<64x128xf32>
    %broadcast_in_dim3A_12 = arith.constant 0.000000e+00 : f32
    %broadcast_in_dim3A_13 = vector.broadcast %broadcast_in_dim3A_12 : f32 to vector<64x1xf32>
    %broadcast_in_dim3A_14 = arith.constant 0.000000e+00 : f32
    %broadcast_in_dim3A_15 = vector.broadcast %broadcast_in_dim3A_14 : f32 to vector<512x128xf32>
    %broadcast_in_dim3A_16 = arith.constant 0.000000e+00 : f32
    %broadcast_in_dim3A_17 = vector.broadcast %broadcast_in_dim3A_16 : f32 to vector<512x1xf32>
    %broadcast_in_dim3A_18 = arith.constant 0.000000e+00 : f32
    %broadcast_in_dim3A_19 = vector.broadcast %broadcast_in_dim3A_18 : f32 to vector<512x1xf32>
    %scan3A = arith.constant 0 : i32
    %scan3A_20 = arith.constant 5 : i32
    %scan3A_21 = arith.addi %scan3A, %scan3A_20 : i32
    %scan3A_22 = arith.constant 1 : i32
    %scan3A_23:5 = scf.for %scan3A_77 = %scan3A to %scan3A_21 step %scan3A_22 iter_args(%scan3A_78 = %broadcast_in_dim3A_11, %scan3A_79 = %broadcast_in_dim3A_13, %scan3A_80 = %broadcast_in_dim3A_15, %scan3A_81 = %broadcast_in_dim3A_17, %scan3A_82 = %broadcast_in_dim3A_19) -> (vector<64x128xf32>, vector<64x1xf32>, vector<512x128xf32>, vector<512x1xf32>, vector<512x1xf32>)  : i32 {
      %mul3A = arith.constant 2000 : i32
      %mul3A_83 = arith.muli %scan3A_77, %mul3A : i32
      %get3A_84 = arith.index_cast %mul3A_83 : i32 to index
      %get3A_85 = arith.constant 0 : index
      %get3A_86 = vector.load %arg0[%get3A_84, %get3A_85] : memref<10000x128xf32, #tpu.memory_space<vmem>>, vector<2000x128xf32>
      %iota3A_87 = tpu.iota {dimensions = array<i32: 1>} : vector<2000x64xi32>
      %get3A_88 = arith.index_cast %mul3A_83 : i32 to index
      %get3A_89 = arith.constant 0 : index
      %get3A_90 = vector.load %arg1[%get3A_88, %get3A_89] : memref<10000x1xi32, #tpu.memory_space<vmem>>, vector<2000x1xi32>
      %eq3A_91 = vector.broadcast %get3A_90 : vector<2000x1xi32> to vector<2000x64xi32>
      %eq3A_92 = arith.cmpi eq, %eq3A_91, %iota3A_87 : vector<2000x64xi32>
      %convert_element_type3A = arith.extui %eq3A_92 : vector<2000x64xi1> to vector<2000x64xi32>
      %convert_element_type3A_93 = arith.sitofp %convert_element_type3A : vector<2000x64xi32> to vector<2000x64xf32>
      %dot_general3A_94 = arith.constant dense<0.000000e+00> : vector<64x128xf32>
      %dot_general3A_95 = tpu.matmul %convert_element_type3A_93, %get3A_86, %dot_general3A_94 {dimension_numbers = #tpu.dot_dimension_numbers<[0], [0], [1], [1], [0, 1, 1, 1], [], []>, precision = #tpu.contract_precision<fp32>, transpose_lhs_hint = false} : vector<2000x64xf32>, vector<2000x128xf32>, vector<64x128xf32> -> vector<64x128xf32>
      %add3A_96 = arith.addf %scan3A_78, %dot_general3A_95 : vector<64x128xf32>
      %dot_general3A_97 = arith.constant dense<0.000000e+00> : vector<64x1xf32>
      %dot_general3A_98 = tpu.matmul %convert_element_type3A_93, %broadcast_in_dim3A_9, %dot_general3A_97 {dimension_numbers = #tpu.dot_dimension_numbers<[0], [0], [1], [1], [0, 1, 1, 1], [], []>, precision = #tpu.contract_precision<fp32>, transpose_lhs_hint = false} : vector<2000x64xf32>, vector<2000x1xf32>, vector<64x1xf32> -> vector<64x1xf32>
      %add3A_99 = arith.addf %scan3A_79, %dot_general3A_98 : vector<64x1xf32>
      %iota3A_100 = tpu.iota {dimensions = array<i32: 1>} : vector<2000x512xi32>
      %get3A_101 = arith.index_cast %mul3A_83 : i32 to index
      %get3A_102 = arith.constant 0 : index
      %get3A_103 = vector.load %arg5[%get3A_101, %get3A_102] : memref<10000x1xi32, #tpu.memory_space<vmem>>, vector<2000x1xi32>
      %eq3A_104 = vector.broadcast %get3A_103 : vector<2000x1xi32> to vector<2000x512xi32>
      %eq3A_105 = arith.cmpi eq, %eq3A_104, %iota3A_100 : vector<2000x512xi32>
      %get3A_106 = arith.index_cast %mul3A_83 : i32 to index
      %get3A_107 = arith.constant 0 : index
      %get3A_108 = vector.load %arg4[%get3A_106, %get3A_107] : memref<10000x1xi32, #tpu.memory_space<vmem>>, vector<2000x1xi32>
      %gt3A_109 = arith.constant 0 : i32
      %gt3A_110 = vector.broadcast %gt3A_109 : i32 to vector<2000x1xi32>
      %gt3A_111 = arith.cmpi sgt, %get3A_108, %gt3A_110 : vector<2000x1xi32>
      %and3A = vector.broadcast %gt3A_111 : vector<2000x1xi1> to vector<2000x512xi1>
      %and3A_112 = arith.andi %eq3A_105, %and3A : vector<2000x512xi1>
      %convert_element_type3A_113 = arith.extui %and3A_112 : vector<2000x512xi1> to vector<2000x512xi32>
      %convert_element_type3A_114 = arith.sitofp %convert_element_type3A_113 : vector<2000x512xi32> to vector<2000x512xf32>
      %dot_general3A_115 = arith.constant dense<0.000000e+00> : vector<512x128xf32>
      %dot_general3A_116 = tpu.matmul %convert_element_type3A_114, %get3A_86, %dot_general3A_115 {dimension_numbers = #tpu.dot_dimension_numbers<[0], [0], [1], [1], [0, 1, 1, 1], [], []>, precision = #tpu.contract_precision<fp32>, transpose_lhs_hint = false} : vector<2000x512xf32>, vector<2000x128xf32>, vector<512x128xf32> -> vector<512x128xf32>
      %add3A_117 = arith.addf %scan3A_80, %dot_general3A_116 : vector<512x128xf32>
      %get3A_118 = arith.index_cast %mul3A_83 : i32 to index
      %get3A_119 = arith.constant 0 : index
      %get3A_120 = vector.load %arg6[%get3A_118, %get3A_119] : memref<10000x1xf32, #tpu.memory_space<vmem>>, vector<2000x1xf32>
      %dot_general3A_121 = arith.constant dense<0.000000e+00> : vector<512x1xf32>
      %dot_general3A_122 = tpu.matmul %convert_element_type3A_114, %get3A_120, %dot_general3A_121 {dimension_numbers = #tpu.dot_dimension_numbers<[0], [0], [1], [1], [0, 1, 1, 1], [], []>, precision = #tpu.contract_precision<fp32>, transpose_lhs_hint = false} : vector<2000x512xf32>, vector<2000x1xf32>, vector<512x1xf32> -> vector<512x1xf32>
      %add3A_123 = arith.addf %scan3A_81, %dot_general3A_122 : vector<512x1xf32>
      %dot_general3A_124 = arith.constant dense<0.000000e+00> : vector<512x1xf32>
      %dot_general3A_125 = tpu.matmul %convert_element_type3A_114, %broadcast_in_dim3A_9, %dot_general3A_124 {dimension_numbers = #tpu.dot_dimension_numbers<[0], [0], [1], [1], [0, 1, 1, 1], [], []>, precision = #tpu.contract_precision<fp32>, transpose_lhs_hint = false} : vector<2000x512xf32>, vector<2000x1xf32>, vector<512x1xf32> -> vector<512x1xf32>
      %add3A_126 = arith.addf %scan3A_82, %dot_general3A_125 : vector<512x1xf32>
      scf.yield %add3A_96, %add3A_99, %add3A_117, %add3A_123, %add3A_126 : vector<64x128xf32>, vector<64x1xf32>, vector<512x128xf32>, vector<512x1xf32>, vector<512x1xf32>
    }
    %scan3A_24 = arith.constant 5 : i32
    %max3A = arith.constant 1.000000e+00 : f32
    %max3A_25 = vector.broadcast %max3A : f32 to vector<64x1xf32>
    %max3A_26 = arith.maximumf %scan3A_23#1, %max3A_25 : vector<64x1xf32>
    %div3A = vector.broadcast %max3A_26 : vector<64x1xf32> to vector<64x128xf32>
    %div3A_27 = arith.divf %scan3A_23#0, %div3A : vector<64x128xf32>
    %iota3A = tpu.iota {dimensions = array<i32: 0>} : vector<64x1xi32>
    %broadcast_in_dim3A_28 = arith.constant 0xFF800000 : f32
    %broadcast_in_dim3A_29 = vector.broadcast %broadcast_in_dim3A_28 : f32 to vector<64x128xf32>
    %scan3A_30 = arith.constant 0 : i32
    %scan3A_31 = arith.constant 64 : i32
    %scan3A_32 = arith.addi %scan3A_30, %scan3A_31 : i32
    %scan3A_33 = arith.constant 1 : i32
    %scan3A_34 = scf.for %scan3A_77 = %scan3A_30 to %scan3A_32 step %scan3A_33 iter_args(%scan3A_78 = %broadcast_in_dim3A_29) -> (vector<64x128xf32>)  : i32 {
      %convert_element_type3A = arith.sitofp %scan3A_77 : i32 to f32
      %get3A_79 = arith.constant 0 : index
      %get3A_80 = arith.constant 0 : index
      %get3A_81 = vector.load %arg2[%get3A_79, %get3A_80] : memref<1250x1xi32, #tpu.memory_space<vmem>>, vector<1250x1xi32>
      %eq3A_82 = vector.broadcast %scan3A_77 : i32 to vector<1250x1xi32>
      %eq3A_83 = arith.cmpi eq, %get3A_81, %eq3A_82 : vector<1250x1xi32>
      %and3A = arith.andi %eq3A, %eq3A_83 : vector<1250x1xi1>
      %jit3A_84 = arith.constant 0xFF800000 : f32
      %broadcast_in_dim3A_85 = vector.shape_cast %and3A : vector<1250x1xi1> to vector<1250x1xi1>
      %broadcast_in_dim3A_86 = vector.broadcast %broadcast_in_dim3A_85 : vector<1250x1xi1> to vector<1250x128xi1>
      %broadcast_in_dim3A_87 = vector.broadcast %jit3A_84 : f32 to vector<1250x128xf32>
      %select_n3A_88 = arith.select %broadcast_in_dim3A_86, %reduce_max3A_2, %broadcast_in_dim3A_87 : vector<1250x128xi1>, vector<1250x128xf32>
      %reduce_max3A_89 = arith.constant dense<0xFF800000> : vector<128xf32>
      %reduce_max3A_90 = vector.multi_reduction <maximumf>, %select_n3A_88, %reduce_max3A_89 [0] : vector<1250x128xf32> to vector<128xf32>
      %broadcast_in_dim3A_91 = vector.shape_cast %reduce_max3A_90 : vector<128xf32> to vector<1x128xf32>
      %eq3A_92 = vector.broadcast %convert_element_type3A : f32 to vector<512x1xf32>
      %eq3A_93 = arith.cmpf oeq, %scan3A_23#3, %eq3A_92 : vector<512x1xf32>
      %gt3A_94 = arith.constant 5.000000e-01 : f32
      %gt3A_95 = vector.broadcast %gt3A_94 : f32 to vector<512x1xf32>
      %gt3A_96 = arith.cmpf ogt, %scan3A_23#4, %gt3A_95 : vector<512x1xf32>
      %and3A_97 = arith.andi %eq3A_93, %gt3A_96 : vector<512x1xi1>
      %jit3A_98 = arith.constant 0xFF800000 : f32
      %broadcast_in_dim3A_99 = vector.shape_cast %and3A_97 : vector<512x1xi1> to vector<512x1xi1>
      %broadcast_in_dim3A_100 = vector.broadcast %broadcast_in_dim3A_99 : vector<512x1xi1> to vector<512x128xi1>
      %broadcast_in_dim3A_101 = vector.broadcast %jit3A_98 : f32 to vector<512x128xf32>
      %select_n3A_102 = arith.select %broadcast_in_dim3A_100, %scan3A_23#2, %broadcast_in_dim3A_101 : vector<512x128xi1>, vector<512x128xf32>
      %reduce_max3A_103 = arith.constant dense<0xFF800000> : vector<128xf32>
      %reduce_max3A_104 = vector.multi_reduction <maximumf>, %select_n3A_102, %reduce_max3A_103 [0] : vector<512x128xf32> to vector<128xf32>
      %broadcast_in_dim3A_105 = vector.shape_cast %reduce_max3A_104 : vector<128xf32> to vector<1x128xf32>
      %max3A_106 = arith.maximumf %broadcast_in_dim3A_91, %broadcast_in_dim3A_105 : vector<1x128xf32>
      %eq3A_107 = vector.broadcast %scan3A_77 : i32 to vector<64x1xi32>
      %eq3A_108 = arith.cmpi eq, %iota3A, %eq3A_107 : vector<64x1xi32>
      %max3A_109 = vector.broadcast %max3A_106 : vector<1x128xf32> to vector<64x128xf32>
      %max3A_110 = arith.maximumf %scan3A_78, %max3A_109 : vector<64x128xf32>
      %broadcast_in_dim3A_111 = vector.shape_cast %eq3A_108 : vector<64x1xi1> to vector<64x1xi1>
      %broadcast_in_dim3A_112 = vector.broadcast %broadcast_in_dim3A_111 : vector<64x1xi1> to vector<64x128xi1>
      %select_n3A_113 = arith.select %broadcast_in_dim3A_112, %max3A_110, %scan3A_78 : vector<64x128xi1>, vector<64x128xf32>
      scf.yield %select_n3A_113 : vector<64x128xf32>
    }
    %scan3A_35 = arith.constant 64 : i32
    %gt3A = arith.constant 0.000000e+00 : f32
    %gt3A_36 = vector.broadcast %gt3A : f32 to vector<64x1xf32>
    %gt3A_37 = arith.cmpf ogt, %scan3A_23#1, %gt3A_36 : vector<64x1xf32>
    %jit3A = arith.constant 0.000000e+00 : f32
    %broadcast_in_dim3A_38 = vector.shape_cast %gt3A_37 : vector<64x1xi1> to vector<64x1xi1>
    %broadcast_in_dim3A_39 = vector.broadcast %broadcast_in_dim3A_38 : vector<64x1xi1> to vector<64x128xi1>
    %broadcast_in_dim3A_40 = vector.broadcast %jit3A : f32 to vector<64x128xf32>
    %select_n3A = arith.select %broadcast_in_dim3A_39, %scan3A_34, %broadcast_in_dim3A_40 : vector<64x128xi1>, vector<64x128xf32>
    %concatenate3A = tpu.concatenate %div3A_27, %scan3A_23#0, %select_n3A in 1 : vector<64x128xf32>, vector<64x128xf32>, vector<64x128xf32> -> vector<64x384xf32>
    %get3A_41 = arith.constant 0 : index
    %get3A_42 = arith.constant 0 : index
    %get3A_43 = vector.load %arg7[%get3A_41, %get3A_42] : memref<384x128xf32, #tpu.memory_space<vmem>>, vector<384x128xf32>
    %dot_general3A = arith.constant dense<0.000000e+00> : vector<64x128xf32>
    %dot_general3A_44 = tpu.matmul %concatenate3A, %get3A_43, %dot_general3A {dimension_numbers = #tpu.dot_dimension_numbers<[1], [0], [0], [1], [0, 0, 1, 1], [], []>, precision = #tpu.contract_precision<fp32>, transpose_lhs_hint = false} : vector<64x384xf32>, vector<384x128xf32>, vector<64x128xf32> -> vector<64x128xf32>
    %get3A_45 = arith.constant 0 : index
    %get3A_46 = arith.constant 0 : index
    %get3A_47 = vector.load %arg8[%get3A_45, %get3A_46] : memref<1x128xf32, #tpu.memory_space<vmem>>, vector<1x128xf32>
    %add3A = vector.broadcast %get3A_47 : vector<1x128xf32> to vector<64x128xf32>
    %add3A_48 = arith.addf %dot_general3A_44, %add3A : vector<64x128xf32>
    %max3A_49 = arith.constant 0.000000e+00 : f32
    %max3A_50 = vector.broadcast %max3A_49 : f32 to vector<64x128xf32>
    %max3A_51 = arith.maximumf %add3A_48, %max3A_50 : vector<64x128xf32>
    %get3A_52 = arith.constant 0 : index
    %get3A_53 = arith.constant 0 : index
    %get3A_54 = vector.load %arg9[%get3A_52, %get3A_53] : memref<128x64xf32, #tpu.memory_space<vmem>>, vector<128x64xf32>
    %dot_general3A_55 = arith.constant dense<0.000000e+00> : vector<64x64xf32>
    %dot_general3A_56 = tpu.matmul %max3A_51, %get3A_54, %dot_general3A_55 {dimension_numbers = #tpu.dot_dimension_numbers<[1], [0], [0], [1], [0, 0, 1, 1], [], []>, precision = #tpu.contract_precision<fp32>, transpose_lhs_hint = false} : vector<64x128xf32>, vector<128x64xf32>, vector<64x64xf32> -> vector<64x64xf32>
    %get3A_57 = arith.constant 0 : index
    %get3A_58 = arith.constant 0 : index
    %get3A_59 = vector.load %arg10[%get3A_57, %get3A_58] : memref<1x64xf32, #tpu.memory_space<vmem>>, vector<1x64xf32>
    %add3A_60 = vector.broadcast %get3A_59 : vector<1x64xf32> to vector<64x64xf32>
    %add3A_61 = arith.addf %dot_general3A_56, %add3A_60 : vector<64x64xf32>
    %max3A_62 = arith.constant 0.000000e+00 : f32
    %max3A_63 = vector.broadcast %max3A_62 : f32 to vector<64x64xf32>
    %max3A_64 = arith.maximumf %add3A_61, %max3A_63 : vector<64x64xf32>
    %get3A_65 = arith.constant 0 : index
    %get3A_66 = arith.constant 0 : index
    %get3A_67 = vector.load %arg11[%get3A_65, %get3A_66] : memref<64x64xf32, #tpu.memory_space<vmem>>, vector<64x64xf32>
    %dot_general3A_68 = arith.constant dense<0.000000e+00> : vector<64x64xf32>
    %dot_general3A_69 = tpu.matmul %max3A_64, %get3A_67, %dot_general3A_68 {dimension_numbers = #tpu.dot_dimension_numbers<[1], [0], [0], [1], [0, 0, 1, 1], [], []>, precision = #tpu.contract_precision<fp32>, transpose_lhs_hint = false} : vector<64x64xf32>, vector<64x64xf32>, vector<64x64xf32> -> vector<64x64xf32>
    %get3A_70 = arith.constant 0 : index
    %get3A_71 = arith.constant 0 : index
    %get3A_72 = vector.load %arg12[%get3A_70, %get3A_71] : memref<1x64xf32, #tpu.memory_space<vmem>>, vector<1x64xf32>
    %add3A_73 = vector.broadcast %get3A_72 : vector<1x64xf32> to vector<64x64xf32>
    %add3A_74 = arith.addf %dot_general3A_69, %add3A_73 : vector<64x64xf32>
    %swap3A = arith.constant 0 : index
    %swap3A_75 = arith.constant 0 : index
    %swap3A_76 = vector.load %arg13[%swap3A, %swap3A_75] : memref<64x64xf32, #tpu.memory_space<vmem>>, vector<64x64xf32>
    tpu.vector_store %arg13[%swap3A, %swap3A_75], %add3A_74 {strides = array<i32>} : memref<64x64xf32, #tpu.memory_space<vmem>>, vector<64x64xf32>,
    return
  }
}

</mosaic_0001>

<sc_bundles>
// kernel: kernel.11.cloned.1.call-start
scs
__scs_entry_jumppad:
0x0: {  	(pc) =	sbr.rel $0x88, $3  }
0x1: {  	(tag) =	ssettag $0x0;
	lr =	simm.s32 $0x1  }
0x2: {  	[smem:$0x3F94] =	sst lr;
	_ =	strace $0xD0000000  }
0x3: {  	_ = 	snop  }
0x4: {  	_ = 	snop  }
0x5: {  	_ = 	snop  }
0x6: {  	_ = 	snop  }
0x7: {  	_ = 	snop  }
__scs_overlays_trampoline_lowered:
0x8: {  	[smem:$0x3FA3] =	sst s0  }
0x9: {  	[smem:$0x3FA4] =	sst s1  }
0xa: {  	[smem:$0x3FA5] =	sst s2  }
0xb: {  	[smem:$0x3FA6] =	sst s3  }
0xc: {  	[smem:$0x3FA7] =	sst s4  }
0xd: {  	[smem:$0x3FA8] =	sst s5  }
0xe: {  	[smem:$0x3FA9] =	sst s6  }
0xf: {  	[smem:$0x3FAA] =	sst s7  }
0x10: {  	[smem:$0x3FAB] =	sst s8  }
0x11: {  	[smem:$0x3FAC] =	sst s9;
	s0 =	simm.s32 @!p0 $0x0  }
0x12: {  	s1 =	sld [smem:$0x3F92];
	s0 =	simm.s32 @p0 $0x1  }
0x13: {  	[smem:$0x3FAD] =	sst s0;
	s0 =	simm.s32 @!p1 $0x0  }
0x14: {  	s2 =	sld [smem:$0x3F91];
	s0 =	simm.s32 @p1 $0x1  }
0x15: {  	[smem:$0x3FAE] =	sst s0;
	s0 =	simm.s32 @!p2 $0x0  }
0x16: {  	s3 =	sld [smem:$0x3FDB];
	s0 =	simm.s32 @p2 $0x1  }
0x17: {  	s4 =	simm.s32 $0x1BF5;
	[smem:$0x3FB0] =	sst s0  }
0x18: {  	s0 =	sld [smem:$0x3F93];
	_ =	swait.ge [sflag:s4], $0x0  }
0x19: {  	s7 =	sld [smem:$0x3F94]  }
0x1a: {  	s8 =	sadd.s32 $0xFFFFE003, lr  }
0x1b: {  	s9 =	sadd.s32 $0xFFFFFEF7, lr;
	s5 =	simm.s32 $0xFFFFFFFF;
	p2 =	slt.u32 s8, $0xFFFFF086  }
0x1c: {  	p1 =	slt.u32 s9, $0xF7A;
	s5 =	simm.s32 @!p2 $0x0  }
0x1d: {  	s5 =	simm.s32 @p1 $0x1;
	p0 =	seq.s32 s7, s2  }
0x1e: {  	s7 =	smul.u32 @!p0 $0xF7A, s2;
	p2 =	seq.s32 @!p0 s5, $0x0  }
0x1f: {  	s9 =	smul.u32 $0xF7A, s1;
	s8 =	simm.s32 @!p0 $0x1BF5;
	p2 =	por !p2, p0  }
0x20: {  	[sflag:s8] =	ssyncset.s32 @!p0 $0xFFFFF086;
	s6 =	sadd.s32 @!p0 s3, s7;
	s7 =	simm.s32 @!p0 $0x108  }
0x21: {  	s3 =	sadd.s32 s3, s9;
	s6 =	sadd.s32 @!p0 $0x88, s6;
	s7 =	simm.s32 @p2 $0x1082  }
0x22: {  	[simem:s7], [sflag:s8] =	dma.local @!p0 [hbm:s6], $0xF7A  }
0x23: {  	s9 =	sor.u32 $0xD0000000, s2;
	s6 =	simm.s32 $0x108;
	_ =	swait.ge @!p0 [sflag:s8], $0x0  }
0x24: {  	s3 =	sadd.s32 $0x88, s3;
	s6 =	simm.s32 @!p1 $0x1082;
	[sflag:s4] =	ssyncset.s32 $0xFFFFF086  }
0x25: {  	[simem:s6], [sflag:s4] =	dma.local [hbm:s3], $0xF7A  }
0x26: {  	[smem:$0x3F94] =	sst s1;
	(tag) =	ssettag s2;
	_ =	strace s9  }
0x27: {  	s1 =	sld [smem:$0x3FA4]  }
0x28: {  	s2 =	sld [smem:$0x3FA5]  }
0x29: {  	s4 =	sld [smem:$0x3FA7]  }
0x2a: {  	p0 =	seq.s32 s5, $0x0;
	s5 =	sld [smem:$0x3FA8]  }
0x2b: {  	s6 =	sld [smem:$0x3FA9]  }
0x2c: {  	s7 =	sld [smem:$0x3FAA]  }
0x2d: {  	s3 =	simm.s32 $0x108;
	s8 =	sld [smem:$0x3FAB]  }
0x2e: {  	s3 =	simm.s32 @!p0 $0x1082;
	s9 =	sld [smem:$0x3FAC]  }
0x2f: {  	lr =	sadd.s32 s0, s3;
	s0 =	sld [smem:$0x3FA3]  }
0x30: {  	s3 =	sld [smem:$0x3FA6]  }
0x31: {  	[smem:$0x3FAF] =	sst s10  }
0x32: {  	s10 =	sld [smem:$0x3FAD];
	_ =	sdelay $0x3  }
0x33: {  	p0 =	seq.s32 s10, $0x1;
	s10 =	sld [smem:$0x3FAF];
	_ =	sdelay $0x3  }
0x34: {  	[smem:$0x3FAF] =	sst s10  }
0x35: {  	s10 =	sld [smem:$0x3FAE];
	_ =	sdelay $0x3  }
0x36: {  	p1 =	seq.s32 s10, $0x1;
	s10 =	sld [smem:$0x3FAF];
	_ =	sdelay $0x3  }
0x37: {  	[smem:$0x3FAF] =	sst s10  }
0x38: {  	s10 =	sld [smem:$0x3FB0]  }
0x39: {  	_ = 	snop;
	(pc) =	sbr.ind lr, $3  }
0x3a: {  	_ = 	snop  }
0x3b: {  	_ = 	snop  }
0x3c: {  	p2 =	seq.s32 s10, $0x1;
	s10 =	sld [smem:$0x3FAF]  }
0x3d: {  	_ =	shalt  }
0x3e: {  	_ =	shalt  }
0x3f: {  	_ =	shalt  }
0x40: {  	_ =	shalt  }
0x41: {  	_ =	shalt  }
0x42: {  	_ =	shalt  }
0x43: {  	_ =	shalt  }
0x44: {  	_ =	shalt  }
0x45: {  	_ =	shalt  }
0x46: {  	_ =	shalt  }
0x47: {  	_ =	shalt  }
0x48: {  	_ =	shalt  }
0x49: {  	_ =	shalt  }
0x4a: {  	_ =	shalt  }
0x4b: {  	_ =	shalt  }
0x4c: {  	_ =	shalt  }
0x4d: {  	_ =	shalt  }
0x4e: {  	_ =	shalt  }
0x4f: {  	_ =	shalt  }
0x50: {  	_ =	shalt  }
0x51: {  	_ =	shalt  }
0x52: {  	_ =	shalt  }
0x53: {  	_ =	shalt  }
0x54: {  	_ =	shalt  }
0x55: {  	_ =	shalt  }
0x56: {  	_ =	shalt  }
0x57: {  	_ =	shalt  }
0x58: {  	_ =	shalt  }
0x59: {  	_ =	shalt  }
0x5a: {  	_ =	shalt  }
0x5b: {  	_ =	shalt  }
0x5c: {  	_ =	shalt  }
0x5d: {  	_ =	shalt  }
0x5e: {  	_ =	shalt  }
0x5f: {  	_ =	shalt  }
0x60: {  	_ =	shalt  }
0x61: {  	_ =	shalt  }
0x62: {  	_ =	shalt  }
0x63: {  	_ =	shalt  }
0x64: {  	_ =	shalt  }
0x65: {  	_ =	shalt  }
0x66: {  	_ =	shalt  }
0x67: {  	_ =	shalt  }
0x68: {  	_ =	shalt  }
0x69: {  	_ =	shalt  }
0x6a: {  	_ =	shalt  }
0x6b: {  	_ =	shalt  }
0x6c: {  	_ =	shalt  }
0x6d: {  	_ =	shalt  }
0x6e: {  	_ =	shalt  }
0x6f: {  	_ =	shalt  }
0x70: {  	_ =	shalt  }
0x71: {  	_ =	shalt  }
0x72: {  	_ =	shalt  }
0x73: {  	_ =	shalt  }
0x74: {  	_ =	shalt  }
0x75: {  	_ =	shalt  }
0x76: {  	_ =	shalt  }
0x77: {  	_ =	shalt  }
0x78: {  	_ =	shalt  }
0x79: {  	_ =	shalt  }
0x7a: {  	_ =	shalt  }
0x7b: {  	_ =	shalt  }
0x7c: {  	_ =	shalt  }
0x7d: {  	_ =	shalt  }
0x7e: {  	_ =	shalt  }
0x7f: {  	_ =	shalt  }
0x80: {  	_ =	shalt  }
0x81: {  	_ =	shalt  }
0x82: {  	_ =	shalt  }
0x83: {  	_ =	shalt  }
0x84: {  	_ =	shalt  }
0x85: {  	_ =	shalt  }
0x86: {  	_ =	shalt  }
0x87: {  	_ =	shalt  }
.Lfunc_end0:
.L_simem_size_0:
called_computation.1_lowered:
.L_overlay_start_0:
0x88: {  	s2 =	sld [smem:$0x3FD9]  }
0x89: {  	s3 =	sld [smem:$0x3FFE];
	_ =	sdelay $0x1  }
0x8a: {  	s1 =	srdreg.scid  }
0x8b: {  	s0 =	sand.u32 $0x1, s1  }
0x8c: {  	s16 =	sshll.u32 s0, $0xA;
	s2 =	sadd.s32 s3, s2  }
0x8d: {  	s2 =	sadd.s32 s2, s16  }
0x8e: {  	[smem:$0x3FBB] =	sst s2  }
0x8f: {  	_ = 	snop  }
0x90: {  	(tm) =	ssettm $0x1  }
0x91: {  	s17 =	sld [smem:$0x3FFB];
	_ =	sdelay $0x3  }
0x92: {  	_ =	strace s17  }
0x93: {  	s2 =	sld [smem:$0x3FFC];
	_ =	sdelay $0x3  }
0x94: {  	_ =	strace s2  }
0x95: {  	s2 =	sld [smem:$0x3FFD];
	_ =	sdelay $0x3  }
0x96: {  	_ =	strace s2  }
0x97: {  	_ =	strace $0x8FFFFFFF  }
0x98: {  	s18 =	sld [smem:$0x3FDB];
	_ =	sdelay $0x1  }
0x99: {  	s19 =	simm.s32 $_scs_section_size  }
0x9a: {  	s4 =	simm.s32 $_size__tile_overlayer_lowered;
	s5 =	simm.s32 $_tile_overlayer_lowered  }
0x9b: {  	s22 =	simm.s32 $0x1BFF;
	s21 =	sshll.u32 s5, $0x1;
	s2 =	sadd.s32 s19, s18  }
0x9c: {  	s6 =	simm.s32 $0x0;
	s20 =	sshll.u32 s4, $0x1;
	s4 =	sadd.s32 s21, s2  }
0x9d: {  	[timem:s6], [sflag:s22] =	dma.local [hbm:s4], s20  }
0x9e: {  	_ =	swait.ge [sflag:s22], s20  }
0x9f: {  	s3 =	ssub.s32 $0x0, s20;
	[sflag:s22] =	ssyncset.done $0x0  }
0xa0: {  	[sflag:s22] =	ssyncadd.s32 s3;
	_ =	sdelay $0x1  }
0xa1: {  	s23 =	simm.s32 $0x1B8B  }
0xa2: {  	_ =	swait.ge [sflag:s23], $0x1  }
0xa3: {  	[sflag:s23] =	ssyncset.done $0x0  }
0xa4: {  	s25 =	simm.s32 $0x1B8E;
	s24 =	sld [smem:$0x3FFE];
	[sflag:s23] =	ssyncadd.s32 $0xFFFFFFFF  }
0xa5: {  	s26 =	simm.s32 $execute0_lowered;
	[smem:$0x3FD2] =	sst s25  }
0xa6: {  	s4 =	sshll.u32 s26, $0x1;
	_ =	strace $0x80000049;
	[dreg:$0x1] =	wrdreg $0xFFFFFFFF  }
0xa7: {  	s28 =	simm.s32 $_size_execute0_lowered;
	s2 =	sadd.s32 s2, s4;
	[dreg:$0x0] =	wrdreg $0x0  }
0xa8: {  	s4 =	sshll.u32 s28, $0x1;
	[dreg:$0x2] =	wrdreg s2  }
0xa9: {  	[dreg:$0x3] =	wrdreg s4  }
0xaa: {  	[dreg:$0x4] =	wrdreg $0xC0  }
0xab: {  	_ =	task [dreg:s6], $0x5FFFF  }
0xac: {  	[dreg:$0x1] =	wrdreg $0xFFFFFFFF  }
0xad: {  	[dreg:$0x0] =	wrdreg $0x60  }
0xae: {  	[dreg:$0x2] =	wrdreg s24  }
0xaf: {  	[dreg:$0x3] =	wrdreg $0x82000  }
0xb0: {  	[dreg:$0x4] =	wrdreg $0x9  }
0xb1: {  	_ =	task.clear_ibuf [dreg:s6], $0x5FFFF;
	_ =	strace $0x90000049  }
0xb2: {  	s29 =	simm.s32 $0x9;
	_ =	strace $0x8000004B  }
0xb3: {  	_ =	swait.ge [sflag:s29], $0x1  }
0xb4: {  	[sflag:s29] =	ssyncadd.s32 $0xFFFFFFFF  }
0xb5: {  	_ =	strace $0x9000004B  }
0xb6: {  	_ =	sfence  }
0xb7: {  	s30 =	sld [smem:$0x0];
	_ =	sdelay $0x2  }
0xb8: {  	s31 =	sshll.u32 s1, $0xD;
	s1 =	sshrl.u32 s1, $0x2  }
0xb9: {  	s3 =	sand.u32 $0x4000, s31;
	s1 =	sadd.s32 s1, s30  }
0xba: {  	s0 =	sor.u32 s3, s0;
	s1 =	sshll.u32 s1, $0x11  }
0xbb: {  	s0 =	sor.u32 s1, s0  }
0xbc: {  	s0 =	sadd.s32 $0x8F2B, s0  }
0xbd: {  	[sflag:s0] =	ssyncadd.remote.s32 $0x1  }
0xbe: {  	_ =	sfence.sel $0xFFFF  }
0xbf: {  	[dreg:$0x0] =	wrdreg $0xFFFFFFFF;
	(pc) =	sbr.abs _section_cstart, $3  }
0xc0: {  	[dreg:$0x1] =	wrdreg $0xFFFFFFFF  }
0xc1: {  	_ =	task.clear_ibuf [dreg:s6], $0x2FFFF;
	_ =	strace $0x9FFFFFFF  }
0xc2: {  	(tm) =	ssettm $0x7FFFFFFF  }
0xc3: {  	_ =	shalt  }
tec
execute0_lowered:
.L_overlay_start_1:
0x0: {  	(tag) =	ssettag $0x1  }
0x1: {  	s0 =	rddreg [dreg:$0x0]  }
0x2: {  	s2 =	rddreg [dreg:$0x1];
	s3 =	simm.s32 $0x0  }
0x3: {  	s16 =	stileid.u32;
	s1 =	srdreg.scid;
	s17 =	simm.s32 $0x180  }
0x4: {  	s28 =	simm.s32 $0x6;
	s29 =	simm.s32 $0x7;
	s30 =	simm.s32 $0x8  }
0x5: {  	s31 =	simm.s32 $0x0;
	[smem:$0x7FF] =	sst s3;
	s7 =	smul.u32 $0x14000, s16  }
0x6: {  	s1 =	sand.u32 $0x1, s1;
	s4 =	sadd.s32 $0xBE00, s0;
	s5 =	sadd.s32 $0x1E00, s0  }
0x7: {  	s6 =	sadd.s32 $0x15E00, s0;
	s10 =	sshll.u32 s16, $0x1;
	s13 =	smul.u32 $0x50000, s16  }
0x8: {  	s15 =	smul.u32 $0xA00, s16;
	s25 =	sshll.u32 s16, $0x6;
	s16 =	simm.s32 $0x80  }
0x9: {  	_ =	strace $0x8000004A;
	s8 =	smul.u32 $0x140000, s1;
	s19 =	ssub.s32 $0x2, s1  }
0xa: {  	s10 =	sor.u32 s1, s10;
	s1 =	smul.u32 $0x500, s1;
	s9 =	sshrl.u32 s7, $0x3  }
0xb: {  	s11 =	sshrl.u32 s19, $0x1;
	s10 =	smul.u32 $0x500, s10;
	s24 =	sshrl.u32 s13, $0x2  }
0xc: {  	s7 =	sadd.s32 s7, s8;
	s12 =	sadd.s32 s9, s0;
	s14 =	ssub.s32 s19, s11  }
0xd: {  	s18 =	sadd.s32 s24, s2;
	s26 =	sadd.s32 s1, s15;
	s15 =	simm.s32 $0x100  }
0xe: {  	s19 =	simm.s32 $0x9;
	s24 =	simm.s32 $0x4;
	s7 =	sshrl.u32 s7, $0x3  }
0xf: {  	s20 =	sadd.s32 s4, s10;
	s21 =	sor.u32 $0x10, s10;
	s22 =	sadd.s32 s5, s10  }
0x10: {  	s11 =	sadd.s32 $0x3D000, s12;
	s12 =	sor.u32 $0x1C09, s25;
	s14 =	smax.u32 s14, $0x1  }
0x11: {  	[dreg:$0x3] =	wrdreg s26;
	s18 =	sshrl.u32 s18, $0x3;
	s25 =	simm.s32 $0x4200  }
0x12: {  	s26 =	simm.s32 $0x5;
	s0 =	sadd.s32 s7, s0;
	[dreg:$0x4] =	wrdreg s20  }
0x13: {  	[dreg:$0x5] =	wrdreg s22;
	s23 =	sadd.s32 s4, s21;
	s10 =	sadd.s32 s5, s21  }
0x14: {  	s20 =	simm.s32 $0x1;
	s21 =	simm.s32 $0x3;
	s22 =	simm.s32 $0x200  }
0x15: {  	[dreg:$0x6] =	wrdreg s23;
	s13 =	sadd.s32 $0x65000, s0;
	s23 =	simm.s32 $0x2  }
.LBB2_1:
0x16: {  	s0 =	rddreg [dreg:$0x4]  }
0x17: {  	[tilespmem:s3], [sflag:$0x1] =	stream.linear.gather [hbm4b:s0+s3], $0x80, $0x38;
	[tilespmem:$0x1C200] =	vst v63  }
0x18: {  	s1 =	rddreg [dreg:$0x5]  }
0x19: {  	[tilespmem:s15], [sflag:$0x3] =	stream.linear.gather [hbm4b:s1+s3], $0x80, $0x38;
	[tilespmem:$0x1C200] =	vst v63  }
0x1a: {  	s7 =	rddreg [dreg:$0x6]  }
0x1b: {  	[tilespmem:s16], [sflag:$0x2] =	stream.linear.gather [hbm4b:s7+s3], $0x80, $0x38;
	[tilespmem:$0x1C200] =	vst v63  }
0x1c: {  	_ = 	snop  }
0x1d: {  	[tilespmem:s17], [sflag:$0x4] =	stream.linear.gather [hbm4b:s10+s3], $0x80, $0x38;
	[tilespmem:$0x1C200] =	vst v63  }
0x1e: {  	[spmem:s18], [sflag:s12] =	dma.local [hbm:s11], $0x2800  }
0x1f: {  	_ =	swait.ge [sflag:s19], $0x2800  }
0x20: {  	[sflag:s19] =	ssyncset.done $0x0  }
0x21: {  	[sflag:s19] =	ssyncadd.s32 $0xFFFFD800  }
0x22: {  	[bflag:$0x0] =	sbarrier.arrive $0xFFFF  }
0x23: {  	_ =	swait.ge [sflag:s20], $0x80  }
0x24: {  	[sflag:s20] =	ssyncset.done $0x0  }
0x25: {  	[sflag:s20] =	ssyncadd.s32 $0xFFFFFF80  }
0x26: {  	_ =	swait.ge [sflag:s21], $0x80  }
0x27: {  	[sflag:s21] =	ssyncset.done $0x0  }
0x28: {  	[sflag:s21] =	ssyncadd.s32 $0xFFFFFF80  }
0x29: {  	[tilespmem:s22], [sflag:$0x5] =	stream.indirect.gather [hbm4b:s6+s16], $0x80, s3, s16, $0xb8;
	[tilespmem:$0x1C200] =	vst v63  }
0x2a: {  	_ =	swait.ge [sflag:s23], $0x80  }
0x2b: {  	[sflag:s23] =	ssyncset.done $0x0  }
0x2c: {  	[sflag:s23] =	ssyncadd.s32 $0xFFFFFF80  }
0x2d: {  	_ =	swait.ge [sflag:s24], $0x80  }
0x2e: {  	[sflag:s24] =	ssyncset.done $0x0  }
0x2f: {  	[sflag:s24] =	ssyncadd.s32 $0xFFFFFF80  }
0x30: {  	[tilespmem:s25], [sflag:$0x6] =	stream.indirect.gather [hbm4b:s6+s16], $0x80, s16, s16, $0xb8;
	[tilespmem:$0x1C200] =	vst v63  }
0x31: {  	_ =	swait.ge [sflag:s26], $0x4000  }
0x32: {  	[sflag:s26] =	ssyncset.done $0x0  }
0x33: {  	[sflag:s26] =	ssyncadd.s32 $0xFFFFC000  }
0x34: {  	[spmem:s2] =	stream.indirect.scatter.add.f32 [tilespmem:s22], [sflag:$0x7], $0x80, s15, s16, $0xb8;
	[tilespmem:$0x1C200] =	vst v63  }
0x35: {  	_ =	swait.ge [sflag:s28], $0x4000  }
0x36: {  	[sflag:s28] =	ssyncset.done $0x0  }
0x37: {  	[sflag:s28] =	ssyncadd.s32 $0xFFFFC000  }
0x38: {  	[spmem:s2] =	stream.indirect.scatter.add.f32 [tilespmem:s25], [sflag:$0x8], $0x80, s17, s16, $0xb8;
	[tilespmem:$0x1C200] =	vst v63  }
0x39: {  	_ =	swait.ge [sflag:s29], $0x4000  }
0x3a: {  	s8 =	rddreg [dreg:$0x3]  }
0x3b: {  	s0 =	sadd.s32 $0x30, s8  }
0x3c: {  	s7 =	simm.s32 $0x20;
	s1 =	sadd.s32 $0xFFFFFFF0, s0  }
0x3d: {  	s7 =	sand.u32 $0x60, s7;
	s1 =	sand.u32 $0xFFFFF80, s1  }
0x3e: {  	[sflag:s29] =	ssyncset.done $0x0;
	s1 =	sor.u32 s7, s1  }
0x3f: {  	[sflag:s29] =	ssyncadd.s32 $0xFFFFC000;
	s7 =	sadd.s32 s4, s1  }
0x40: {  	[tilespmem:s3], [sflag:$0x1] =	stream.linear.gather [hbm4b:s7+s3], $0x80, $0x38;
	[tilespmem:$0x1C200] =	vst v63  }
0x41: {  	s9 =	simm.s32 $0x30;
	s1 =	sadd.s32 s5, s1  }
0x42: {  	[tilespmem:s15], [sflag:$0x3] =	stream.linear.gather [hbm4b:s1+s3], $0x80, $0x38;
	[tilespmem:$0x1C200] =	vst v63  }
0x43: {  	s0 =	sand.u32 $0xFFFFF80, s0;
	s1 =	sand.u32 $0x70, s9;
	_ =	swait.ge [sflag:s30], $0x4000  }
0x44: {  	s1 =	sor.u32 s1, s0;
	[sflag:s30] =	ssyncset.done $0x0  }
0x45: {  	s0 =	sadd.s32 s4, s1;
	[sflag:s30] =	ssyncadd.s32 $0xFFFFC000  }
0x46: {  	[tilespmem:s16], [sflag:$0x2] =	stream.linear.gather [hbm4b:s0+s3], $0x80, $0x38;
	[tilespmem:$0x1C200] =	vst v63  }
0x47: {  	s1 =	sadd.s32 s5, s1;
	s0 =	simm.s32 $0x50  }
.LBB2_2:
0x48: {  	[tilespmem:s17], [sflag:$0x4] =	stream.linear.gather [hbm4b:s1+s3], $0x80, $0x38;
	[tilespmem:$0x1C200] =	vst v63  }
0x49: {  	_ =	swait.ge [sflag:s20], $0x80  }
0x4a: {  	[sflag:s20] =	ssyncset.done $0x0  }
0x4b: {  	[sflag:s20] =	ssyncadd.s32 $0xFFFFFF80  }
0x4c: {  	_ =	swait.ge [sflag:s21], $0x80  }
0x4d: {  	[sflag:s21] =	ssyncset.done $0x0  }
0x4e: {  	[sflag:s21] =	ssyncadd.s32 $0xFFFFFF80  }
0x4f: {  	[tilespmem:s22], [sflag:$0x5] =	stream.indirect.gather [hbm4b:s6+s16], $0x80, s3, s16, $0xb8;
	[tilespmem:$0x1C200] =	vst v63  }
0x50: {  	_ =	swait.ge [sflag:s23], $0x80  }
0x51: {  	[sflag:s23] =	ssyncset.done $0x0  }
0x52: {  	[sflag:s23] =	ssyncadd.s32 $0xFFFFFF80  }
0x53: {  	_ =	swait.ge [sflag:s24], $0x80  }
0x54: {  	[sflag:s24] =	ssyncset.done $0x0  }
0x55: {  	[sflag:s24] =	ssyncadd.s32 $0xFFFFFF80  }
0x56: {  	[tilespmem:s25], [sflag:$0x6] =	stream.indirect.gather [hbm4b:s6+s16], $0x80, s16, s16, $0xb8;
	[tilespmem:$0x1C200] =	vst v63  }
0x57: {  	_ =	swait.ge [sflag:s26], $0x4000  }
0x58: {  	[sflag:s26] =	ssyncset.done $0x0  }
0x59: {  	[sflag:s26] =	ssyncadd.s32 $0xFFFFC000  }
0x5a: {  	[spmem:s2] =	stream.indirect.scatter.add.f32 [tilespmem:s22], [sflag:$0x7], $0x80, s15, s16, $0xb8;
	[tilespmem:$0x1C200] =	vst v63  }
0x5b: {  	_ =	swait.ge [sflag:s28], $0x4000  }
0x5c: {  	[sflag:s28] =	ssyncset.done $0x0  }
0x5d: {  	[sflag:s28] =	ssyncadd.s32 $0xFFFFC000  }
0x5e: {  	[spmem:s2] =	stream.indirect.scatter.add.f32 [tilespmem:s25], [sflag:$0x8], $0x80, s17, s16, $0xb8;
	[tilespmem:$0x1C200] =	vst v63  }
0x5f: {  	_ =	swait.ge [sflag:s29], $0x4000  }
0x60: {  	s1 =	smov.u32 s0;
	s7 =	rddreg [dreg:$0x3]  }
0x61: {  	s7 =	sadd.s32 s1, s7  }
0x62: {  	s8 =	sand.u32 $0x70, s1;
	s1 =	sadd.s32 $0xFFFFFFF0, s1;
	s9 =	sadd.s32 $0xFFFFFFF0, s7  }
0x63: {  	s1 =	sand.u32 $0x60, s1;
	s9 =	sand.u32 $0xFFFFF80, s9  }
0x64: {  	[sflag:s29] =	ssyncset.done $0x0;
	s1 =	sor.u32 s1, s9  }
0x65: {  	[sflag:s29] =	ssyncadd.s32 $0xFFFFC000;
	s9 =	sadd.s32 s4, s1  }
0x66: {  	[tilespmem:s3], [sflag:$0x1] =	stream.linear.gather [hbm4b:s9+s3], $0x80, $0x38;
	[tilespmem:$0x1C200] =	vst v63  }
0x67: {  	p0 =	sne.s32 s0, $0x4F0;
	s1 =	sadd.s32 s5, s1  }
0x68: {  	[tilespmem:s15], [sflag:$0x3] =	stream.linear.gather [hbm4b:s1+s3], $0x80, $0x38;
	[tilespmem:$0x1C200] =	vst v63  }
.Ltmp0:
0x69: {  	_ = 	snop;
	(pc) =	sbr.rel @p0 .LBB2_2-.Ltmp0, $4  }
0x6a: {  	s7 =	sand.u32 $0xFFFFF80, s7;
	_ =	swait.ge [sflag:s30], $0x4000  }
0x6b: {  	s0 =	sadd.s32 $0x20, s0;
	s7 =	sor.u32 s8, s7;
	[sflag:s30] =	ssyncset.done $0x0  }
0x6c: {  	s9 =	sadd.s32 s4, s7;
	s1 =	sadd.s32 s5, s7;
	[sflag:s30] =	ssyncadd.s32 $0xFFFFC000  }
0x6d: {  	[tilespmem:s16], [sflag:$0x2] =	stream.linear.gather [hbm4b:s9+s3], $0x80, $0x38;
	[tilespmem:$0x1C200] =	vst v63  }
0x6e: {  	[tilespmem:s17], [sflag:$0x4] =	stream.linear.gather [hbm4b:s1+s3], $0x80, $0x38;
	[tilespmem:$0x1C200] =	vst v63  }
0x6f: {  	_ =	swait.ge [sflag:s20], $0x80  }
0x70: {  	[sflag:s20] =	ssyncset.done $0x0  }
0x71: {  	[sflag:s20] =	ssyncadd.s32 $0xFFFFFF80  }
0x72: {  	_ =	swait.ge [sflag:s21], $0x80  }
0x73: {  	[sflag:s21] =	ssyncset.done $0x0  }
0x74: {  	[sflag:s21] =	ssyncadd.s32 $0xFFFFFF80  }
0x75: {  	[tilespmem:s22], [sflag:$0x5] =	stream.indirect.gather [hbm4b:s6+s16], $0x80, s3, s16, $0xb8;
	[tilespmem:$0x1C200] =	vst v63  }
0x76: {  	_ =	swait.ge [sflag:s23], $0x80  }
0x77: {  	[sflag:s23] =	ssyncset.done $0x0  }
0x78: {  	[sflag:s23] =	ssyncadd.s32 $0xFFFFFF80  }
0x79: {  	_ =	swait.ge [sflag:s24], $0x80  }
0x7a: {  	[sflag:s24] =	ssyncset.done $0x0  }
0x7b: {  	[sflag:s24] =	ssyncadd.s32 $0xFFFFFF80  }
0x7c: {  	[tilespmem:s25], [sflag:$0x6] =	stream.indirect.gather [hbm4b:s6+s16], $0x80, s16, s16, $0xb8;
	[tilespmem:$0x1C200] =	vst v63  }
0x7d: {  	_ =	swait.ge [sflag:s26], $0x4000  }
0x7e: {  	[sflag:s26] =	ssyncset.done $0x0  }
0x7f: {  	[sflag:s26] =	ssyncadd.s32 $0xFFFFC000  }
0x80: {  	[spmem:s2] =	stream.indirect.scatter.add.f32 [tilespmem:s22], [sflag:$0x7], $0x80, s15, s16, $0xb8;
	[tilespmem:$0x1C200] =	vst v63  }
0x81: {  	_ =	swait.ge [sflag:s28], $0x4000  }
0x82: {  	[sflag:s28] =	ssyncset.done $0x0  }
0x83: {  	[sflag:s28] =	ssyncadd.s32 $0xFFFFC000  }
0x84: {  	[spmem:s2] =	stream.indirect.scatter.add.f32 [tilespmem:s25], [sflag:$0x8], $0x80, s17, s16, $0xb8;
	[tilespmem:$0x1C200] =	vst v63  }
0x85: {  	_ =	swait.ge [sflag:s29], $0x4000  }
0x86: {  	[sflag:s29] =	ssyncset.done $0x0  }
0x87: {  	[sflag:s29] =	ssyncadd.s32 $0xFFFFC000  }
0x88: {  	_ =	swait.ge [sflag:s30], $0x4000  }
0x89: {  	s31 =	sadd.s32 $0x1, s31;
	[sflag:s30] =	ssyncset.done $0x0  }
0x8a: {  	p0 =	sne.s32 s31, s14;
	[sflag:s30] =	ssyncadd.s32 $0xFFFFC000  }
.Ltmp1:
0x8b: {  	[bflag:$0x0] =	sbarrier.arrive $0xFFFF;
	(pc) =	sbr.rel @p0 .LBB2_1-.Ltmp1, $4  }
0x8c: {  	[hbm:s13], [sflag:s12] =	dma.local [spmem:s18], $0x2800  }
0x8d: {  	_ =	swait.ge [sflag:s19], $0x2800  }
0x8e: {  	[sflag:s19] =	ssyncset.done $0x0  }
0x8f: {  	[sflag:s19] =	ssyncadd.s32 $0xFFFFD800  }
0x90: {  	_ =	sfence.sel $0x180000  }
0x91: {  	[bflag:$0x0] =	sbarrier.arrive $0xFFFF  }
0x92: {  	_ =	strace $0x9000004A  }
0x93: {  	s0 =	stileid.u32;
	[bflag:$0x2] =	sbarrier.arrive $0xFFFF  }
0x94: {  	p0 =	sne.s32 s0, $0x0;
	s0 =	rddreg [dreg:$0x2]  }
0x95: {  	s0 =	sadd.s32 @!p0 $0x100000, s0  }
0x96: {  	[sflag:s0] =	ssyncadd.tile.s32 @!p0 $0x1;
	_ =	shalt  }
.Lfunc_end2:
_tile_overlayer_lowered:
.L_overlay_start_2:
0x97: {  	(tag) =	ssettag $0x2  }
0x98: {  	s0 =	rddreg [dreg:$0x0];
	s2 =	stileid.u32  }
0x99: {  	s1 =	rddreg [dreg:$0x1];
	p0 =	sne.s32 s2, $0x0  }
0x9a: {  	s3 =	rddreg [dreg:$0x2];
	[bflag:$0x3] =	sbarrier.arrive $0xFFFF;
	s2 =	simm.s32 @!p0 $0x1C09  }
0x9b: {  	[timem:s3], [sflag:s2] =	dma.local @!p0 [hbm:s0], s1  }
0x9c: {  	s0 =	simm.s32 @!p0 $0x9  }
0x9d: {  	_ =	swait.ge @!p0 [sflag:s0], s1  }
0x9e: {  	s1 =	ssub.s32 @!p0 $0x0, s1;
	[sflag:s0] =	ssyncset.done @!p0 $0x0  }
0x9f: {  	[sflag:s0] =	ssyncadd.s32 @!p0 s1  }
0xa0: {  	[bflag:$0x3] =	sbarrier.arrive $0xFFFF  }
0xa1: {  	_ =	shalt  }

// kernel: kernel.8.cloned.1.call-start
scs
__scs_entry_jumppad:
0x0: {  	(pc) =	sbr.rel $0x88, $3  }
0x1: {  	(tag) =	ssettag $0x0;
	lr =	simm.s32 $0x1  }
0x2: {  	[smem:$0x3F94] =	sst lr;
	_ =	strace $0xD0000000  }
0x3: {  	_ = 	snop  }
0x4: {  	_ = 	snop  }
0x5: {  	_ = 	snop  }
0x6: {  	_ = 	snop  }
0x7: {  	_ = 	snop  }
__scs_overlays_trampoline_lowered:
0x8: {  	[smem:$0x3FA3] =	sst s0  }
0x9: {  	[smem:$0x3FA4] =	sst s1  }
0xa: {  	[smem:$0x3FA5] =	sst s2  }
0xb: {  	[smem:$0x3FA6] =	sst s3  }
0xc: {  	[smem:$0x3FA7] =	sst s4  }
0xd: {  	[smem:$0x3FA8] =	sst s5  }
0xe: {  	[smem:$0x3FA9] =	sst s6  }
0xf: {  	[smem:$0x3FAA] =	sst s7  }
0x10: {  	[smem:$0x3FAB] =	sst s8  }
0x11: {  	[smem:$0x3FAC] =	sst s9;
	s0 =	simm.s32 @!p0 $0x0  }
0x12: {  	s1 =	sld [smem:$0x3F92];
	s0 =	simm.s32 @p0 $0x1  }
0x13: {  	[smem:$0x3FAD] =	sst s0;
	s0 =	simm.s32 @!p1 $0x0  }
0x14: {  	s2 =	sld [smem:$0x3F91];
	s0 =	simm.s32 @p1 $0x1  }
0x15: {  	[smem:$0x3FAE] =	sst s0;
	s0 =	simm.s32 @!p2 $0x0  }
0x16: {  	s3 =	sld [smem:$0x3FDB];
	s0 =	simm.s32 @p2 $0x1  }
0x17: {  	s4 =	simm.s32 $0x1BF5;
	[smem:$0x3FB0] =	sst s0  }
0x18: {  	s0 =	sld [smem:$0x3F93];
	_ =	swait.ge [sflag:s4], $0x0  }
0x19: {  	s7 =	sld [smem:$0x3F94]  }
0x1a: {  	s8 =	sadd.s32 $0xFFFFE003, lr  }
0x1b: {  	s9 =	sadd.s32 $0xFFFFFEF7, lr;
	s5 =	simm.s32 $0xFFFFFFFF;
	p2 =	slt.u32 s8, $0xFFFFF086  }
0x1c: {  	p1 =	slt.u32 s9, $0xF7A;
	s5 =	simm.s32 @!p2 $0x0  }
0x1d: {  	s5 =	simm.s32 @p1 $0x1;
	p0 =	seq.s32 s7, s2  }
0x1e: {  	s7 =	smul.u32 @!p0 $0xF7A, s2;
	p2 =	seq.s32 @!p0 s5, $0x0  }
0x1f: {  	s9 =	smul.u32 $0xF7A, s1;
	s8 =	simm.s32 @!p0 $0x1BF5;
	p2 =	por !p2, p0  }
0x20: {  	[sflag:s8] =	ssyncset.s32 @!p0 $0xFFFFF086;
	s6 =	sadd.s32 @!p0 s3, s7;
	s7 =	simm.s32 @!p0 $0x108  }
0x21: {  	s3 =	sadd.s32 s3, s9;
	s6 =	sadd.s32 @!p0 $0x88, s6;
	s7 =	simm.s32 @p2 $0x1082  }
0x22: {  	[simem:s7], [sflag:s8] =	dma.local @!p0 [hbm:s6], $0xF7A  }
0x23: {  	s9 =	sor.u32 $0xD0000000, s2;
	s6 =	simm.s32 $0x108;
	_ =	swait.ge @!p0 [sflag:s8], $0x0  }
0x24: {  	s3 =	sadd.s32 $0x88, s3;
	s6 =	simm.s32 @!p1 $0x1082;
	[sflag:s4] =	ssyncset.s32 $0xFFFFF086  }
0x25: {  	[simem:s6], [sflag:s4] =	dma.local [hbm:s3], $0xF7A  }
0x26: {  	[smem:$0x3F94] =	sst s1;
	(tag) =	ssettag s2;
	_ =	strace s9  }
0x27: {  	s1 =	sld [smem:$0x3FA4]  }
0x28: {  	s2 =	sld [smem:$0x3FA5]  }
0x29: {  	s4 =	sld [smem:$0x3FA7]  }
0x2a: {  	p0 =	seq.s32 s5, $0x0;
	s5 =	sld [smem:$0x3FA8]  }
0x2b: {  	s6 =	sld [smem:$0x3FA9]  }
0x2c: {  	s7 =	sld [smem:$0x3FAA]  }
0x2d: {  	s3 =	simm.s32 $0x108;
	s8 =	sld [smem:$0x3FAB]  }
0x2e: {  	s3 =	simm.s32 @!p0 $0x1082;
	s9 =	sld [smem:$0x3FAC]  }
0x2f: {  	lr =	sadd.s32 s0, s3;
	s0 =	sld [smem:$0x3FA3]  }
0x30: {  	s3 =	sld [smem:$0x3FA6]  }
0x31: {  	[smem:$0x3FAF] =	sst s10  }
0x32: {  	s10 =	sld [smem:$0x3FAD];
	_ =	sdelay $0x3  }
0x33: {  	p0 =	seq.s32 s10, $0x1;
	s10 =	sld [smem:$0x3FAF];
	_ =	sdelay $0x3  }
0x34: {  	[smem:$0x3FAF] =	sst s10  }
0x35: {  	s10 =	sld [smem:$0x3FAE];
	_ =	sdelay $0x3  }
0x36: {  	p1 =	seq.s32 s10, $0x1;
	s10 =	sld [smem:$0x3FAF];
	_ =	sdelay $0x3  }
0x37: {  	[smem:$0x3FAF] =	sst s10  }
0x38: {  	s10 =	sld [smem:$0x3FB0]  }
0x39: {  	_ = 	snop;
	(pc) =	sbr.ind lr, $3  }
0x3a: {  	_ = 	snop  }
0x3b: {  	_ = 	snop  }
0x3c: {  	p2 =	seq.s32 s10, $0x1;
	s10 =	sld [smem:$0x3FAF]  }
0x3d: {  	_ =	shalt  }
0x3e: {  	_ =	shalt  }
0x3f: {  	_ =	shalt  }
0x40: {  	_ =	shalt  }
0x41: {  	_ =	shalt  }
0x42: {  	_ =	shalt  }
0x43: {  	_ =	shalt  }
0x44: {  	_ =	shalt  }
0x45: {  	_ =	shalt  }
0x46: {  	_ =	shalt  }
0x47: {  	_ =	shalt  }
0x48: {  	_ =	shalt  }
0x49: {  	_ =	shalt  }
0x4a: {  	_ =	shalt  }
0x4b: {  	_ =	shalt  }
0x4c: {  	_ =	shalt  }
0x4d: {  	_ =	shalt  }
0x4e: {  	_ =	shalt  }
0x4f: {  	_ =	shalt  }
0x50: {  	_ =	shalt  }
0x51: {  	_ =	shalt  }
0x52: {  	_ =	shalt  }
0x53: {  	_ =	shalt  }
0x54: {  	_ =	shalt  }
0x55: {  	_ =	shalt  }
0x56: {  	_ =	shalt  }
0x57: {  	_ =	shalt  }
0x58: {  	_ =	shalt  }
0x59: {  	_ =	shalt  }
0x5a: {  	_ =	shalt  }
0x5b: {  	_ =	shalt  }
0x5c: {  	_ =	shalt  }
0x5d: {  	_ =	shalt  }
0x5e: {  	_ =	shalt  }
0x5f: {  	_ =	shalt  }
0x60: {  	_ =	shalt  }
0x61: {  	_ =	shalt  }
0x62: {  	_ =	shalt  }
0x63: {  	_ =	shalt  }
0x64: {  	_ =	shalt  }
0x65: {  	_ =	shalt  }
0x66: {  	_ =	shalt  }
0x67: {  	_ =	shalt  }
0x68: {  	_ =	shalt  }
0x69: {  	_ =	shalt  }
0x6a: {  	_ =	shalt  }
0x6b: {  	_ =	shalt  }
0x6c: {  	_ =	shalt  }
0x6d: {  	_ =	shalt  }
0x6e: {  	_ =	shalt  }
0x6f: {  	_ =	shalt  }
0x70: {  	_ =	shalt  }
0x71: {  	_ =	shalt  }
0x72: {  	_ =	shalt  }
0x73: {  	_ =	shalt  }
0x74: {  	_ =	shalt  }
0x75: {  	_ =	shalt  }
0x76: {  	_ =	shalt  }
0x77: {  	_ =	shalt  }
0x78: {  	_ =	shalt  }
0x79: {  	_ =	shalt  }
0x7a: {  	_ =	shalt  }
0x7b: {  	_ =	shalt  }
0x7c: {  	_ =	shalt  }
0x7d: {  	_ =	shalt  }
0x7e: {  	_ =	shalt  }
0x7f: {  	_ =	shalt  }
0x80: {  	_ =	shalt  }
0x81: {  	_ =	shalt  }
0x82: {  	_ =	shalt  }
0x83: {  	_ =	shalt  }
0x84: {  	_ =	shalt  }
0x85: {  	_ =	shalt  }
0x86: {  	_ =	shalt  }
0x87: {  	_ =	shalt  }
.Lfunc_end0:
.L_simem_size_0:
called_computation_lowered:
.L_overlay_start_0:
0x88: {  	s2 =	sld [smem:$0x3FD9]  }
0x89: {  	s3 =	sld [smem:$0x3FFE];
	_ =	sdelay $0x1  }
0x8a: {  	s1 =	srdreg.scid  }
0x8b: {  	s0 =	sand.u32 $0x1, s1  }
0x8c: {  	s16 =	sshll.u32 s0, $0xA;
	s2 =	sadd.s32 s3, s2  }
0x8d: {  	s2 =	sadd.s32 s2, s16  }
0x8e: {  	[smem:$0x3FBB] =	sst s2  }
0x8f: {  	_ = 	snop  }
0x90: {  	(tm) =	ssettm $0x1  }
0x91: {  	s17 =	sld [smem:$0x3FFB];
	_ =	sdelay $0x3  }
0x92: {  	_ =	strace s17  }
0x93: {  	s2 =	sld [smem:$0x3FFC];
	_ =	sdelay $0x3  }
0x94: {  	_ =	strace s2  }
0x95: {  	s2 =	sld [smem:$0x3FFD];
	_ =	sdelay $0x3  }
0x96: {  	_ =	strace s2  }
0x97: {  	_ =	strace $0x8FFFFFFF  }
0x98: {  	s18 =	sld [smem:$0x3FDB];
	_ =	sdelay $0x1  }
0x99: {  	s19 =	simm.s32 $_scs_section_size  }
0x9a: {  	s4 =	simm.s32 $_size__tile_overlayer_lowered;
	s5 =	simm.s32 $_tile_overlayer_lowered  }
0x9b: {  	s22 =	simm.s32 $0x1BFF;
	s21 =	sshll.u32 s5, $0x1;
	s2 =	sadd.s32 s19, s18  }
0x9c: {  	s6 =	simm.s32 $0x0;
	s20 =	sshll.u32 s4, $0x1;
	s4 =	sadd.s32 s21, s2  }
0x9d: {  	[timem:s6], [sflag:s22] =	dma.local [hbm:s4], s20  }
0x9e: {  	_ =	swait.ge [sflag:s22], s20  }
0x9f: {  	s3 =	ssub.s32 $0x0, s20;
	[sflag:s22] =	ssyncset.done $0x0  }
0xa0: {  	[sflag:s22] =	ssyncadd.s32 s3;
	_ =	sdelay $0x1  }
0xa1: {  	s23 =	simm.s32 $0x1B8B  }
0xa2: {  	_ =	swait.ge [sflag:s23], $0x1  }
0xa3: {  	[sflag:s23] =	ssyncset.done $0x0  }
0xa4: {  	s25 =	simm.s32 $0x1B8E;
	s24 =	sld [smem:$0x3FFE];
	[sflag:s23] =	ssyncadd.s32 $0xFFFFFFFF  }
0xa5: {  	s26 =	simm.s32 $execute0_lowered;
	[smem:$0x3FD2] =	sst s25  }
0xa6: {  	s4 =	sshll.u32 s26, $0x1;
	_ =	strace $0x80000046;
	[dreg:$0x1] =	wrdreg $0xFFFFFFFF  }
0xa7: {  	s28 =	simm.s32 $_size_execute0_lowered;
	s2 =	sadd.s32 s2, s4;
	[dreg:$0x0] =	wrdreg $0x0  }
0xa8: {  	s4 =	sshll.u32 s28, $0x1;
	[dreg:$0x2] =	wrdreg s2  }
0xa9: {  	[dreg:$0x3] =	wrdreg s4  }
0xaa: {  	[dreg:$0x4] =	wrdreg $0xC0  }
0xab: {  	_ =	task [dreg:s6], $0x5FFFF  }
0xac: {  	[dreg:$0x1] =	wrdreg $0xFFFFFFFF  }
0xad: {  	[dreg:$0x0] =	wrdreg $0x60  }
0xae: {  	[dreg:$0x2] =	wrdreg s24  }
0xaf: {  	[dreg:$0x3] =	wrdreg $0x9  }
0xb0: {  	_ =	task.clear_ibuf [dreg:s6], $0x4FFFF;
	_ =	strace $0x90000046  }
0xb1: {  	s29 =	simm.s32 $0x9;
	_ =	strace $0x80000048  }
0xb2: {  	_ =	swait.ge [sflag:s29], $0x1  }
0xb3: {  	[sflag:s29] =	ssyncadd.s32 $0xFFFFFFFF  }
0xb4: {  	_ =	strace $0x90000048  }
0xb5: {  	_ =	sfence  }
0xb6: {  	s30 =	sld [smem:$0x0];
	_ =	sdelay $0x2  }
0xb7: {  	s31 =	sshll.u32 s1, $0xD;
	s1 =	sshrl.u32 s1, $0x2  }
0xb8: {  	s3 =	sand.u32 $0x4000, s31;
	s1 =	sadd.s32 s1, s30  }
0xb9: {  	s0 =	sor.u32 s3, s0;
	s1 =	sshll.u32 s1, $0x11  }
0xba: {  	s0 =	sor.u32 s1, s0  }
0xbb: {  	s0 =	sadd.s32 $0x8F2B, s0  }
0xbc: {  	[sflag:s0] =	ssyncadd.remote.s32 $0x1  }
0xbd: {  	_ =	sfence.sel $0xFFFF  }
0xbe: {  	[dreg:$0x0] =	wrdreg $0xFFFFFFFF;
	(pc) =	sbr.abs _section_cstart, $3  }
0xbf: {  	[dreg:$0x1] =	wrdreg $0xFFFFFFFF  }
0xc0: {  	_ =	task.clear_ibuf [dreg:s6], $0x2FFFF;
	_ =	strace $0x9FFFFFFF  }
0xc1: {  	(tm) =	ssettm $0x7FFFFFFF  }
tec
execute0_lowered:
.L_overlay_start_1:
0x0: {  	(tag) =	ssettag $0x1  }
0x1: {  	s1 =	srdreg.scid;
	s0 =	stileid.u32  }
0x2: {  	s4 =	sand.u32 $0x1, s1;
	s2 =	sshll.u32 s0, $0x1  }
0x3: {  	s3 =	rddreg [dreg:$0x0];
	s5 =	sor.u32 s4, s2  }
0x4: {  	s7 =	simm.s32 $0x2800;
	s8 =	simm.s32 $0x0;
	s5 =	smul.u32 $0x500, s5  }
0x5: {  	s1 =	rddreg [dreg:$0x1];
	s2 =	simm.s32 $0x0;
	s4 =	ssub.s32 $0x2, s4  }
0x6: {  	[smem:$0x7FF] =	sst s2;
	s6 =	sshrl.u32 s4, $0x1;
	s5 =	sadd.s32 s5, s3  }
0x7: {  	_ =	strace $0x80000047;
	s6 =	ssub.s32 s4, s6;
	s3 =	sadd.s32 $0x1E00, s5  }
0x8: {  	v0 =	vimm.f32 $0.0e+00;
	v1 =	vimm.f32 $1.000000000e+00;
	s4 =	sadd.s32 $0x15E00, s5;
	s5 =	smax.u32 s6, $0x1;
	s6 =	simm.s32 $0x1  }
.LBB2_1:
0x9: {  	[tilespmem:s2], [sflag:$0x1] =	stream.linear.gather [hbm4b:s3+s2], $0x2800, $0x38;
	[tilespmem:$0x5000] =	vst v63  }
0xa: {  	_ =	swait.ge [sflag:s6], $0x2800  }
0xb: {  	[sflag:s6] =	ssyncset.done $0x0  }
0xc: {  	s9 =	simm.s32 $0x0;
	[sflag:s6] =	ssyncadd.s32 $0xFFFFD800  }
.LBB2_2:
0xd: {  	p0 =	sne.s32 s9, $0x9FC0  }
.Ltmp0:
0xe: {  	_ = 	snop;
	(pc) =	sbr.rel @p0 .LBB2_2-.Ltmp0, $3  }
0xf: {  	_ =	sdelay $0x1  }
0x10: {  	s10 =	sshra.s32 s9, $0x2  }
0x11: {  	s9 =	sadd.s32 $0x40, s9;
	[tilespmem:s10+$0x2800] =	vst v0  }
0x12: {  	s9 =	simm.s32 $0x1C0  }
.LBB2_4:
0x13: {  	s10 =	sshra.s32 s9, $0x2  }
0x14: {  	v2 =	vld [tilespmem:s10+$0xFFFFFF90];
	_ =	sdelay $0x7  }
0x15: {  	[tilespmem:v2+s7+$0x0] =	vst.idx.add.f32.msk $0xffff, v1  }
0x16: {  	v2 =	vld [tilespmem:s10+$0xFFFFFFA0];
	_ =	sdelay $0x7  }
0x17: {  	[tilespmem:v2+s7+$0x0] =	vst.idx.add.f32.msk $0xffff, v1  }
0x18: {  	v2 =	vld [tilespmem:s10+$0xFFFFFFB0];
	_ =	sdelay $0x7  }
0x19: {  	[tilespmem:v2+s7+$0x0] =	vst.idx.add.f32.msk $0xffff, v1  }
0x1a: {  	v2 =	vld [tilespmem:s10+$0xFFFFFFC0];
	_ =	sdelay $0x7  }
0x1b: {  	[tilespmem:v2+s7+$0x0] =	vst.idx.add.f32.msk $0xffff, v1  }
0x1c: {  	v2 =	vld [tilespmem:s10+$0xFFFFFFD0];
	_ =	sdelay $0x7  }
0x1d: {  	[tilespmem:v2+s7+$0x0] =	vst.idx.add.f32.msk $0xffff, v1  }
0x1e: {  	v2 =	vld [tilespmem:s10+$0xFFFFFFE0];
	_ =	sdelay $0x7  }
0x1f: {  	[tilespmem:v2+s7+$0x0] =	vst.idx.add.f32.msk $0xffff, v1  }
0x20: {  	v2 =	vld [tilespmem:s10+$0xFFFFFFF0];
	_ =	sdelay $0x7  }
0x21: {  	[tilespmem:v2+s7+$0x0] =	vst.idx.add.f32.msk $0xffff, v1  }
0x22: {  	v2 =	vld [tilespmem:s10+$0x0];
	_ =	sdelay $0x2  }
0x23: {  	p0 =	sne.s32 s9, $0x9FC0  }
.Ltmp1:
0x24: {  	_ = 	snop;
	(pc) =	sbr.rel @p0 .LBB2_4-.Ltmp1, $2  }
0x25: {  	_ =	sdelay $0x2  }
0x26: {  	s9 =	sadd.s32 $0x200, s9;
	[tilespmem:v2+s7+$0x0] =	vst.idx.add.f32.msk $0xffff, v1  }
0x27: {  	s8 =	sadd.s32 $0x1, s8  }
0x28: {  	p0 =	sne.s32 s8, s5  }
.Ltmp2:
0x29: {  	_ = 	snop;
	(pc) =	sbr.rel @p0 .LBB2_1-.Ltmp2, $4  }
0x2a: {  	[hbm4b:s4+s2] =	stream.linear.scatter [tilespmem:s7], [sflag:$0x1], $0x2800, $0x38;
	[tilespmem:$0x5000] =	vst v63  }
0x2b: {  	_ =	swait.ge [sflag:s6], $0x2800  }
0x2c: {  	[sflag:s6] =	ssyncset.done $0x0  }
0x2d: {  	[sflag:s6] =	ssyncadd.s32 $0xFFFFD800  }
0x2e: {  	_ =	sfence.sel $0x180000  }
0x2f: {  	[bflag:$0x0] =	sbarrier.arrive $0xFFFF  }
0x30: {  	p0 =	sne.s32 s0, $0x0;
	_ =	strace $0x90000047  }
0x31: {  	s0 =	sadd.s32 @!p0 $0x100000, s1;
	[bflag:$0x2] =	sbarrier.arrive $0xFFFF  }
0x32: {  	[sflag:s0] =	ssyncadd.tile.s32 @!p0 $0x1;
	_ =	shalt  }
.Lfunc_end2:
_tile_overlayer_lowered:
.L_overlay_start_2:
0x33: {  	(tag) =	ssettag $0x2  }
0x34: {  	s0 =	rddreg [dreg:$0x0];
	s2 =	stileid.u32  }
0x35: {  	s1 =	rddreg [dreg:$0x1];
	p0 =	sne.s32 s2, $0x0  }
0x36: {  	s3 =	rddreg [dreg:$0x2];
	[bflag:$0x3] =	sbarrier.arrive $0xFFFF;
	s2 =	simm.s32 @!p0 $0x1C01  }
0x37: {  	[timem:s3], [sflag:s2] =	dma.local @!p0 [hbm:s0], s1  }
0x38: {  	s0 =	simm.s32 @!p0 $0x1  }
0x39: {  	_ =	swait.ge @!p0 [sflag:s0], s1  }
0x3a: {  	s1 =	ssub.s32 @!p0 $0x0, s1;
	[sflag:s0] =	ssyncset.done @!p0 $0x0  }
0x3b: {  	[sflag:s0] =	ssyncadd.s32 @!p0 s1  }
0x3c: {  	[bflag:$0x3] =	sbarrier.arrive $0xFFFF  }
0x3d: {  	_ =	shalt  }

</sc_bundles>
